<compile_context>
chip_gen: v7x
topology: tpu7x:2x2x1
jax: 0.10.2.dev20260603
libtpu: 0.0.44.dev20260713+nightly
codegen_flags: <defaults>
</compile_context>

<pallas_src>
import functools

import jax
import jax.numpy as jnp
from jax import lax
from jax.experimental import pallas as pl
from jax.experimental.pallas import tpu as pltpu
from jax.experimental.pallas import tpu_sc as plsc


def _sc_gather_cols(u2, i2, mfuT, mfiT, mpuT, mpiT, B):
  MF = mfuT.shape[0]
  EMB = mpuT.shape[0]
  info = plsc.get_sparse_core_info()
  NC, NS = info.num_cores, info.num_subcores
  NW = NC * NS
  assert u2.shape == (NW, B // NW)
  bw = B // NW

  mesh = plsc.VectorSubcoreMesh(
      core_axis_name="c", subcore_axis_name="s",
      num_cores=NC, num_subcores=NS)

  @functools.partial(
      pl.kernel,
      out_type=(
          jax.ShapeDtypeStruct((B * MF,), jnp.float32),
          jax.ShapeDtypeStruct((B * MF,), jnp.float32),
          jax.ShapeDtypeStruct((B * EMB,), jnp.float32),
          jax.ShapeDtypeStruct((B * EMB,), jnp.float32),
      ),
      mesh=mesh,
      compiler_params=pltpu.CompilerParams(needs_layout_passes=False),
      scratch_types=(
          [pltpu.VMEM((bw,), jnp.int32)] * 2
          + [pltpu.VMEM((MF, 128), jnp.float32),
             pltpu.VMEM((MF, 128), jnp.float32),
             pltpu.VMEM((EMB, 128), jnp.float32),
             pltpu.VMEM((EMB, 128), jnp.float32)] * 6
          + [pltpu.VMEM((bw * MF,), jnp.float32),
             pltpu.VMEM((bw * MF,), jnp.float32),
             pltpu.VMEM((bw * EMB,), jnp.float32),
             pltpu.VMEM((bw * EMB,), jnp.float32)]
          + [pltpu.SemaphoreType.DMA] * 6
      ),
  )
  def gather_k(u2_hbm, i2_hbm, mfu, mfi, mpu, mpi,
               o_mfu, o_mfi, o_mpu, o_mpi, uix, iix, *rest):
    sets = [tuple(rest[4 * k:4 * k + 4]) for k in range(6)]
    r_mfu, r_mfi, r_mpu, r_mpi = rest[24:28]
    sems = rest[28:34]
    wid = lax.axis_index("s") * NC + lax.axis_index("c")
    base = wid * bw
    pltpu.sync_copy(u2_hbm.at[wid], uix)
    pltpu.sync_copy(i2_hbm.at[wid], iix)
    lane = lax.iota(jnp.int32, 16)
    tabs = (mfu, mfi, mpu, mpi)

    def calc(b):
      g = pl.multiple_of((b >> 4) * 16, 16)
      vu = uix[pl.ds(g, 16)]
      vi = iix[pl.ds(g, 16)]
      m = lane == (b & 15)
      neg = jnp.full((16,), -1, jnp.int32)
      cu = jnp.max(jnp.where(m, vu, neg))
      ci = jnp.max(jnp.where(m, vi, neg))
      return cu, ci

    def fire(cu, ci, bufs, sem):
      cu_t = pl.multiple_of((cu >> 7) * 128, 128)
      ci_t = pl.multiple_of((ci >> 7) * 128, 128)
      offs = (cu_t, ci_t, cu_t, ci_t)
      for tab, off, buf in zip(tabs, offs, bufs):
        pltpu.async_copy(tab.at[:, pl.ds(off, 128)], buf, sem)

    def drain(bufs, sem):
      for tab, buf in zip(tabs, bufs):
        pltpu.make_async_copy(tab.at[:, pl.ds(0, 128)], buf, sem).wait()

    def extract(cu, ci, bufs, b):
      cm_u = jnp.broadcast_to(cu & 127, (16,))
      cm_i = jnp.broadcast_to(ci & 127, (16,))
      row_u = plsc.load_gather(bufs[0], [lane, cm_u])
      row_i = plsc.load_gather(bufs[1], [lane, cm_i])
      o16 = pl.multiple_of(b * MF, MF)
      r_mfu[pl.ds(o16, 16)] = row_u
      r_mfi[pl.ds(o16, 16)] = row_i
      plo_u = plsc.load_gather(bufs[2], [lane, cm_u])
      phi_u = plsc.load_gather(bufs[2], [lane + 16, cm_u])
      plo_i = plsc.load_gather(bufs[3], [lane, cm_i])
      phi_i = plsc.load_gather(bufs[3], [lane + 16, cm_i])
      o32 = pl.multiple_of(b * EMB, EMB)
      r_mpu[pl.ds(o32, 16)] = plo_u
      r_mpu[pl.ds(o32 + 16, 16)] = phi_u
      r_mpi[pl.ds(o32, 16)] = plo_i
      r_mpi[pl.ds(o32 + 16, 16)] = phi_i

    D = 6
    carry0 = []
    for b0 in range(D - 1):
      cu_p, ci_p = calc(b0)
      fire(cu_p, ci_p, sets[b0], sems[b0])
      carry0.extend((cu_p, ci_p))

    def body(b, carry):
      cu_b, ci_b = carry[0], carry[1]
      bn = jnp.minimum(b + (D - 1), bw - 1)
      cu_n, ci_n = calc(bn)
      for k in range(D):
        @pl.when(b % D == k)
        def _(k=k):
          fire(cu_n, ci_n, sets[(k + D - 1) % D], sems[(k + D - 1) % D])
          drain(sets[k], sems[k])
          extract(cu_b, ci_b, sets[k], b)
      return (*carry[2:], cu_n, ci_n)

    lax.fori_loop(0, bw, body, tuple(carry0))
    for j in range(D - 1):
      k = (bw + j) % D
      drain(sets[k], sems[k])

    pltpu.sync_copy(r_mfu, o_mfu.at[pl.ds(base * MF, bw * MF)])
    pltpu.sync_copy(r_mfi, o_mfi.at[pl.ds(base * MF, bw * MF)])
    pltpu.sync_copy(r_mpu, o_mpu.at[pl.ds(base * EMB, bw * EMB)])
    pltpu.sync_copy(r_mpi, o_mpi.at[pl.ds(base * EMB, bw * EMB)])

  return gather_k(u2, i2, mfuT, mfiT, mpuT, mpiT)


def _mlp_body(mfu_r, mfi_r, mpu_r, mpi_r, w1u, w1i, b1r, w2, b2r, wpm, wph,
              bpr, out):
  mfu = mfu_r[...]
  mfi = mfi_r[...]
  mpu = mpu_r[...]
  mpi = mpi_r[...]
  h = jnp.dot(mpu, w1u[...], preferred_element_type=jnp.float32)
  h += jnp.dot(mpi, w1i[...], preferred_element_type=jnp.float32)
  h = jnp.maximum(h + b1r[...], 0.0)
  h = jnp.dot(h, w2[...], preferred_element_type=jnp.float32)
  h = jnp.maximum(h + b2r[...], 0.0)
  mf = mfu * mfi
  z = jnp.dot(mf, wpm[...], preferred_element_type=jnp.float32)
  z += jnp.dot(h, wph[...], preferred_element_type=jnp.float32)
  out[...] = jax.nn.sigmoid(z + bpr[...])


def kernel(user_indices, item_indices, mf_user_table, mf_item_table,
           mlp_user_table, mlp_item_table, W1, b1, W2, b2, Wp, bp):
  B = user_indices.shape[0]
  MF = mf_user_table.shape[1]
  EMB = mlp_user_table.shape[1]
  L1 = W1.shape[1]
  L2 = W2.shape[1]
  NW = 32
  n_sc = B

  ui = user_indices.astype(jnp.int32)
  ii = item_indices.astype(jnp.int32)
  u2 = ui.reshape(NW, n_sc // NW)
  i2 = ii.reshape(NW, n_sc // NW)

  f_mfu, f_mfi, f_mpu, f_mpi = _sc_gather_cols(
      u2, i2, mf_user_table.T, mf_item_table.T,
      mlp_user_table.T, mlp_item_table.T, n_sc)

  mfu = f_mfu.reshape(n_sc, MF)
  mfi = f_mfi.reshape(n_sc, MF)
  mpu = f_mpu.reshape(n_sc, EMB)
  mpi = f_mpi.reshape(n_sc, EMB)

  W1u, W1i = W1[:EMB], W1[EMB:]
  Wp_mf, Wp_h = Wp[:MF], Wp[MF:]
  b1r = b1.reshape(1, L1)
  b2r = b2.reshape(1, L2)
  bpr = bp.reshape(1, 1)

  BL = 2048
  full = lambda i: (0, 0)
  rows = lambda i: (i, 0)
  pred1 = pl.pallas_call(
      _mlp_body,
      grid=(n_sc // BL,),
      in_specs=[
          pl.BlockSpec((BL, MF), rows),
          pl.BlockSpec((BL, MF), rows),
          pl.BlockSpec((BL, EMB), rows),
          pl.BlockSpec((BL, EMB), rows),
          pl.BlockSpec((EMB, L1), full),
          pl.BlockSpec((EMB, L1), full),
          pl.BlockSpec((1, L1), full),
          pl.BlockSpec((L1, L2), full),
          pl.BlockSpec((1, L2), full),
          pl.BlockSpec((MF, 1), full),
          pl.BlockSpec((L2, 1), full),
          pl.BlockSpec((1, 1), full),
      ],
      out_specs=pl.BlockSpec((BL, 1), rows),
      out_shape=jax.ShapeDtypeStruct((n_sc, 1), jnp.float32),
  )(mfu, mfi, mpu, mpi, W1u, W1i, b1r, W2, b2r, Wp_mf, Wp_h, bpr)

  return pred1[:, 0]

# --- scband reference (transcript-rebuilt; emitter-appended) ---
"""Pipeline reference for scband-neu-mf-47562467835961 (READ-ONLY COPY).

The authoritative reference and input builder live on the scoring server;
editing this copy changes nothing except your own understanding.
"""

import jax, jax.numpy as jnp
import numpy as np

NUM_USERS = 1000000
NUM_ITEMS = 1000000
B = 16384
MF_DIM = 16
EMB_DIM = 32  # layers[0] // 2
LAYERS = [64, 32, 16]


def setup_inputs(seed: int = 0) -> dict:
    key = jax.random.key(seed)
    ks = jax.random.split(key, 12)
    user_indices = jax.random.randint(ks[0], (B,), 0, NUM_USERS, dtype=jnp.int64 if jax.config.jax_enable_x64 else jnp.int32)
    item_indices = jax.random.randint(ks[1], (B,), 0, NUM_ITEMS, dtype=jnp.int64 if jax.config.jax_enable_x64 else jnp.int32)
    mf_user_table = jax.random.normal(ks[2], (NUM_USERS, MF_DIM), dtype=jnp.float32) * 0.01
    mf_item_table = jax.random.normal(ks[3], (NUM_ITEMS, MF_DIM), dtype=jnp.float32) * 0.01
    mlp_user_table = jax.random.normal(ks[4], (NUM_USERS, EMB_DIM), dtype=jnp.float32) * 0.01
    mlp_item_table = jax.random.normal(ks[5], (NUM_ITEMS, EMB_DIM), dtype=jnp.float32) * 0.01
    W1 = jax.random.normal(ks[6], (LAYERS[0], LAYERS[1]), dtype=jnp.float32) * 0.05
    b1 = jnp.zeros((LAYERS[1],), dtype=jnp.float32)
    W2 = jax.random.normal(ks[7], (LAYERS[1], LAYERS[2]), dtype=jnp.float32) * 0.05
    b2 = jnp.zeros((LAYERS[2],), dtype=jnp.float32)
    Wp = jax.random.normal(ks[8], (MF_DIM + LAYERS[2], 1), dtype=jnp.float32) * 0.05
    bp = jnp.zeros((1,), dtype=jnp.float32)
    return {
        "user_indices": user_indices,
        "item_indices": item_indices,
        "mf_user_table": mf_user_table,
        "mf_item_table": mf_item_table,
        "mlp_user_table": mlp_user_table,
        "mlp_item_table": mlp_item_table,
        "W1": W1, "b1": b1, "W2": W2, "b2": b2, "Wp": Wp, "bp": bp,
    }


def reference(user_indices, item_indices, mf_user_table, mf_item_table,
              mlp_user_table, mlp_item_table, W1, b1, W2, b2, Wp, bp):
    # GMF branch: embedding gathers + elementwise product
    mf_user_latent = jnp.take(mf_user_table, user_indices, axis=0)
    mf_item_latent = jnp.take(mf_item_table, item_indices, axis=0)
    mf_vector = mf_user_latent * mf_item_latent
    # MLP branch: embedding gathers + concat + MLP with ReLU
    mlp_user_latent = jnp.take(mlp_user_table, user_indices, axis=0)
    mlp_item_latent = jnp.take(mlp_item_table, item_indices, axis=0)
    mlp_vector = jnp.concatenate([mlp_user_latent, mlp_item_latent], axis=-1)
    h = jax.nn.relu(mlp_vector @ W1 + b1)
    h = jax.nn.relu(h @ W2 + b2)
    predict_vector = jnp.concatenate([mf_vector, h], axis=-1)
    prediction = jax.nn.sigmoid(predict_vector @ Wp + bp)
    return jnp.squeeze(prediction, axis=-1)

if __name__ == "__main__":
    import jax
    _d = setup_inputs()
    print(jax.jit(kernel)(*tuple(_d.values())))

</pallas_src>

<mosaic_0001>
#map = affine_map<(d0, d1) -> (0, 0)>
#map1 = affine_map<(d0, d1) -> (0)>
module attributes {stable_mosaic.version = 14 : i64} {
  func.func @gather_k(%arg0: i32, %arg1: i32, %arg2: memref<32x512xi32, #tpu.memory_space<hbm>>, %arg3: memref<32x512xi32, #tpu.memory_space<hbm>>, %arg4: memref<16x1000000xf32, #tpu.memory_space<hbm>>, %arg5: memref<16x1000000xf32, #tpu.memory_space<hbm>>, %arg6: memref<32x1000000xf32, #tpu.memory_space<hbm>>, %arg7: memref<32x1000000xf32, #tpu.memory_space<hbm>>, %arg8: memref<262144xf32, #tpu.memory_space<hbm>>, %arg9: memref<262144xf32, #tpu.memory_space<hbm>>, %arg10: memref<524288xf32, #tpu.memory_space<hbm>>, %arg11: memref<524288xf32, #tpu.memory_space<hbm>>, %arg12: memref<512xi32, #tpu.memory_space<vmem>>, %arg13: memref<512xi32, #tpu.memory_space<vmem>>, %arg14: memref<16x128xf32, #tpu.memory_space<vmem>>, %arg15: memref<16x128xf32, #tpu.memory_space<vmem>>, %arg16: memref<32x128xf32, #tpu.memory_space<vmem>>, %arg17: memref<32x128xf32, #tpu.memory_space<vmem>>, %arg18: memref<16x128xf32, #tpu.memory_space<vmem>>, %arg19: memref<16x128xf32, #tpu.memory_space<vmem>>, %arg20: memref<32x128xf32, #tpu.memory_space<vmem>>, %arg21: memref<32x128xf32, #tpu.memory_space<vmem>>, %arg22: memref<16x128xf32, #tpu.memory_space<vmem>>, %arg23: memref<16x128xf32, #tpu.memory_space<vmem>>, %arg24: memref<32x128xf32, #tpu.memory_space<vmem>>, %arg25: memref<32x128xf32, #tpu.memory_space<vmem>>, %arg26: memref<16x128xf32, #tpu.memory_space<vmem>>, %arg27: memref<16x128xf32, #tpu.memory_space<vmem>>, %arg28: memref<32x128xf32, #tpu.memory_space<vmem>>, %arg29: memref<32x128xf32, #tpu.memory_space<vmem>>, %arg30: memref<16x128xf32, #tpu.memory_space<vmem>>, %arg31: memref<16x128xf32, #tpu.memory_space<vmem>>, %arg32: memref<32x128xf32, #tpu.memory_space<vmem>>, %arg33: memref<32x128xf32, #tpu.memory_space<vmem>>, %arg34: memref<16x128xf32, #tpu.memory_space<vmem>>, %arg35: memref<16x128xf32, #tpu.memory_space<vmem>>, %arg36: memref<32x128xf32, #tpu.memory_space<vmem>>, %arg37: memref<32x128xf32, #tpu.memory_space<vmem>>, %arg38: memref<8192xf32, #tpu.memory_space<vmem>>, %arg39: memref<8192xf32, #tpu.memory_space<vmem>>, %arg40: memref<16384xf32, #tpu.memory_space<vmem>>, %arg41: memref<16384xf32, #tpu.memory_space<vmem>>, %arg42: memref<!tpu.dma_semaphore, #tpu.memory_space<semaphore_mem>>, %arg43: memref<!tpu.dma_semaphore, #tpu.memory_space<semaphore_mem>>, %arg44: memref<!tpu.dma_semaphore, #tpu.memory_space<semaphore_mem>>, %arg45: memref<!tpu.dma_semaphore, #tpu.memory_space<semaphore_mem>>, %arg46: memref<!tpu.dma_semaphore, #tpu.memory_space<semaphore_mem>>, %arg47: memref<!tpu.dma_semaphore, #tpu.memory_space<semaphore_mem>>) attributes {dimension_semantics = [#tpu.dimension_semantics<core_parallel>, #tpu.dimension_semantics<subcore_parallel>], iteration_bounds = array<i64: 2, 16>, scalar_prefetch = 0 : i64, scratch_operands = 36 : i64, tpu.core_type = #tpu.core_type<sc_vector_subcore>, window_params = [{transform_indices = #map}, {transform_indices = #map}, {transform_indices = #map}, {transform_indices = #map}, {transform_indices = #map}, {transform_indices = #map}, {transform_indices = #map1}, {transform_indices = #map1}, {transform_indices = #map1}, {transform_indices = #map1}]} {
    %mul3A = arith.constant 2 : i32
    %mul3A_0 = arith.muli %arg1, %mul3A : i32
    %add3A = arith.addi %mul3A_0, %arg0 : i32
    %mul3A_1 = arith.constant 512 : i32
    %mul3A_2 = arith.muli %add3A, %mul3A_1 : i32
    "tpu.region"() ({
      %run_scoped3A = tpu.sem_alloc : memref<!tpu.dma_semaphore, #tpu.memory_space<semaphore_mem>>
      %dma_start3A_402 = arith.constant 0 : i32
      %dma_start3A_403 = tpu.memref_slice %arg2[%add3A, %dma_start3A_402] : memref<32x512xi32, #tpu.memory_space<hbm>> -> memref<1x512xi32, #tpu.memory_space<hbm>>
      %dma_start3A_404 = tpu.memref_squeeze %dma_start3A_403 : memref<1x512xi32, #tpu.memory_space<hbm>> -> memref<512xi32, #tpu.memory_space<hbm>>
      %dma_start3A_405 = arith.constant 0 : i32
      %dma_start3A_406 = tpu.memref_slice %arg2[%add3A, %dma_start3A_405] : memref<32x512xi32, #tpu.memory_space<hbm>> -> memref<1x512xi32, #tpu.memory_space<hbm>>
      %dma_start3A_407 = tpu.memref_squeeze %dma_start3A_406 : memref<1x512xi32, #tpu.memory_space<hbm>> -> memref<512xi32, #tpu.memory_space<hbm>>
      tpu.enqueue_dma source(%dma_start3A_407 : memref<512xi32, #tpu.memory_space<hbm>>) target(%arg12 : memref<512xi32, #tpu.memory_space<vmem>>) target_semaphore(%run_scoped3A : memref<!tpu.dma_semaphore, #tpu.memory_space<semaphore_mem>>)
      %dma_wait3A_408 = arith.constant 0 : i32
      %dma_wait3A_409 = tpu.memref_slice %arg2[%add3A, %dma_wait3A_408] : memref<32x512xi32, #tpu.memory_space<hbm>> -> memref<1x512xi32, #tpu.memory_space<hbm>>
      %dma_wait3A_410 = tpu.memref_squeeze %dma_wait3A_409 : memref<1x512xi32, #tpu.memory_space<hbm>> -> memref<512xi32, #tpu.memory_space<hbm>>
      %dma_wait3A_411 = arith.constant 0 : i32
      %dma_wait3A_412 = tpu.memref_slice %arg2[%add3A, %dma_wait3A_411] : memref<32x512xi32, #tpu.memory_space<hbm>> -> memref<1x512xi32, #tpu.memory_space<hbm>>
      %dma_wait3A_413 = tpu.memref_squeeze %dma_wait3A_412 : memref<1x512xi32, #tpu.memory_space<hbm>> -> memref<512xi32, #tpu.memory_space<hbm>>
      tpu.wait_dma2 semaphore(%run_scoped3A : memref<!tpu.dma_semaphore, #tpu.memory_space<semaphore_mem>>) src(%dma_wait3A_413 : memref<512xi32, #tpu.memory_space<hbm>>) dst(%arg12 : memref<512xi32, #tpu.memory_space<vmem>>)
      tpu.yield
    }) : () -> ()
    "tpu.region"() ({
      %run_scoped3A = tpu.sem_alloc : memref<!tpu.dma_semaphore, #tpu.memory_space<semaphore_mem>>
      %dma_start3A_402 = arith.constant 0 : i32
      %dma_start3A_403 = tpu.memref_slice %arg3[%add3A, %dma_start3A_402] : memref<32x512xi32, #tpu.memory_space<hbm>> -> memref<1x512xi32, #tpu.memory_space<hbm>>
      %dma_start3A_404 = tpu.memref_squeeze %dma_start3A_403 : memref<1x512xi32, #tpu.memory_space<hbm>> -> memref<512xi32, #tpu.memory_space<hbm>>
      %dma_start3A_405 = arith.constant 0 : i32
      %dma_start3A_406 = tpu.memref_slice %arg3[%add3A, %dma_start3A_405] : memref<32x512xi32, #tpu.memory_space<hbm>> -> memref<1x512xi32, #tpu.memory_space<hbm>>
      %dma_start3A_407 = tpu.memref_squeeze %dma_start3A_406 : memref<1x512xi32, #tpu.memory_space<hbm>> -> memref<512xi32, #tpu.memory_space<hbm>>
      tpu.enqueue_dma source(%dma_start3A_407 : memref<512xi32, #tpu.memory_space<hbm>>) target(%arg13 : memref<512xi32, #tpu.memory_space<vmem>>) target_semaphore(%run_scoped3A : memref<!tpu.dma_semaphore, #tpu.memory_space<semaphore_mem>>)
      %dma_wait3A_408 = arith.constant 0 : i32
      %dma_wait3A_409 = tpu.memref_slice %arg3[%add3A, %dma_wait3A_408] : memref<32x512xi32, #tpu.memory_space<hbm>> -> memref<1x512xi32, #tpu.memory_space<hbm>>
      %dma_wait3A_410 = tpu.memref_squeeze %dma_wait3A_409 : memref<1x512xi32, #tpu.memory_space<hbm>> -> memref<512xi32, #tpu.memory_space<hbm>>
      %dma_wait3A_411 = arith.constant 0 : i32
      %dma_wait3A_412 = tpu.memref_slice %arg3[%add3A, %dma_wait3A_411] : memref<32x512xi32, #tpu.memory_space<hbm>> -> memref<1x512xi32, #tpu.memory_space<hbm>>
      %dma_wait3A_413 = tpu.memref_squeeze %dma_wait3A_412 : memref<1x512xi32, #tpu.memory_space<hbm>> -> memref<512xi32, #tpu.memory_space<hbm>>
      tpu.wait_dma2 semaphore(%run_scoped3A : memref<!tpu.dma_semaphore, #tpu.memory_space<semaphore_mem>>) src(%dma_wait3A_413 : memref<512xi32, #tpu.memory_space<hbm>>) dst(%arg13 : memref<512xi32, #tpu.memory_space<vmem>>)
      tpu.yield
    }) : () -> ()
    %iota3A = tpu.iota {dimensions = array<i32: 0>} : vector<16xi32>
    %multiple_of3A = arith.constant 0 : i32
    %multiple_of3A_3 = tpu.assume_multiple %multiple_of3A, 16 : i32
    %get3A = arith.index_cast %multiple_of3A_3 : i32 to index
    %get3A_4 = tpu.vector_load %arg12[%get3A] {strides = array<i32>} : memref<512xi32, #tpu.memory_space<vmem>>, vector<16xi32>,
    %get3A_5 = arith.index_cast %multiple_of3A_3 : i32 to index
    %get3A_6 = tpu.vector_load %arg13[%get3A_5] {strides = array<i32>} : memref<512xi32, #tpu.memory_space<vmem>>, vector<16xi32>,
    %eq3A = arith.constant 0 : i32
    %eq3A_7 = vector.broadcast %eq3A : i32 to vector<16xi32>
    %eq3A_8 = arith.cmpi eq, %iota3A, %eq3A_7 : vector<16xi32>
    %broadcast_in_dim3A = arith.constant -1 : i32
    %broadcast_in_dim3A_9 = vector.broadcast %broadcast_in_dim3A : i32 to vector<16xi32>
    %select_n3A = arith.select %eq3A_8, %get3A_4, %broadcast_in_dim3A_9 : vector<16xi1>, vector<16xi32>
    %reduce_max3A = arith.constant true
    %reduce_max3A_10 = vector.broadcast %reduce_max3A : i1 to vector<16xi1>
    %reduce_max3A_11 = arith.constant -2147483648 : i32
    %reduce_max3A_12 = vector.broadcast %reduce_max3A_11 : i32 to vector<16xi32>
    %reduce_max3A_13 = arith.xori %select_n3A, %reduce_max3A_12 : vector<16xi32>
    %reduce_max3A_14 = tpu.scan <max>, %reduce_max3A_13 masked %reduce_max3A_10 : vector<16xi32>, vector<16xi1> -> vector<16xi32>
    %reduce_max3A_15 = arith.xori %reduce_max3A_14, %reduce_max3A_12 : vector<16xi32>
    %reduce_max3A_16 = vector.extract %reduce_max3A_15[15] : i32 from vector<16xi32>
    %select_n3A_17 = arith.select %eq3A_8, %get3A_6, %broadcast_in_dim3A_9 : vector<16xi1>, vector<16xi32>
    %reduce_max3A_18 = arith.constant true
    %reduce_max3A_19 = vector.broadcast %reduce_max3A_18 : i1 to vector<16xi1>
    %reduce_max3A_20 = arith.constant -2147483648 : i32
    %reduce_max3A_21 = vector.broadcast %reduce_max3A_20 : i32 to vector<16xi32>
    %reduce_max3A_22 = arith.xori %select_n3A_17, %reduce_max3A_21 : vector<16xi32>
    %reduce_max3A_23 = tpu.scan <max>, %reduce_max3A_22 masked %reduce_max3A_19 : vector<16xi32>, vector<16xi1> -> vector<16xi32>
    %reduce_max3A_24 = arith.xori %reduce_max3A_23, %reduce_max3A_21 : vector<16xi32>
    %reduce_max3A_25 = vector.extract %reduce_max3A_24[15] : i32 from vector<16xi32>
    %shift_right_arithmetic3A = arith.constant 7 : i32
    %shift_right_arithmetic3A_26 = arith.shrsi %reduce_max3A_16, %shift_right_arithmetic3A : i32
    %mul3A_27 = arith.constant 128 : i32
    %mul3A_28 = arith.muli %shift_right_arithmetic3A_26, %mul3A_27 : i32
    %multiple_of3A_29 = tpu.assume_multiple %mul3A_28, 128 : i32
    %shift_right_arithmetic3A_30 = arith.constant 7 : i32
    %shift_right_arithmetic3A_31 = arith.shrsi %reduce_max3A_25, %shift_right_arithmetic3A_30 : i32
    %mul3A_32 = arith.constant 128 : i32
    %mul3A_33 = arith.muli %shift_right_arithmetic3A_31, %mul3A_32 : i32
    %multiple_of3A_34 = tpu.assume_multiple %mul3A_33, 128 : i32
    %dma_start3A = arith.constant 0 : i32
    %dma_start3A_35 = tpu.memref_slice %arg4[%dma_start3A, %multiple_of3A_29] : memref<16x1000000xf32, #tpu.memory_space<hbm>> -> memref<16x128xf32, #tpu.memory_space<hbm>>
    %dma_start3A_36 = arith.constant 0 : i32
    %dma_start3A_37 = tpu.memref_slice %arg4[%dma_start3A_36, %multiple_of3A_29] : memref<16x1000000xf32, #tpu.memory_space<hbm>> -> memref<16x128xf32, #tpu.memory_space<hbm>>
    tpu.enqueue_dma source(%dma_start3A_37 : memref<16x128xf32, #tpu.memory_space<hbm>>) target(%arg14 : memref<16x128xf32, #tpu.memory_space<vmem>>) target_semaphore(%arg42 : memref<!tpu.dma_semaphore, #tpu.memory_space<semaphore_mem>>)
    %dma_start3A_38 = arith.constant 0 : i32
    %dma_start3A_39 = tpu.memref_slice %arg5[%dma_start3A_38, %multiple_of3A_34] : memref<16x1000000xf32, #tpu.memory_space<hbm>> -> memref<16x128xf32, #tpu.memory_space<hbm>>
    %dma_start3A_40 = arith.constant 0 : i32
    %dma_start3A_41 = tpu.memref_slice %arg5[%dma_start3A_40, %multiple_of3A_34] : memref<16x1000000xf32, #tpu.memory_space<hbm>> -> memref<16x128xf32, #tpu.memory_space<hbm>>
    tpu.enqueue_dma source(%dma_start3A_41 : memref<16x128xf32, #tpu.memory_space<hbm>>) target(%arg15 : memref<16x128xf32, #tpu.memory_space<vmem>>) target_semaphore(%arg42 : memref<!tpu.dma_semaphore, #tpu.memory_space<semaphore_mem>>)
    %dma_start3A_42 = arith.constant 0 : i32
    %dma_start3A_43 = tpu.memref_slice %arg6[%dma_start3A_42, %multiple_of3A_29] : memref<32x1000000xf32, #tpu.memory_space<hbm>> -> memref<32x128xf32, #tpu.memory_space<hbm>>
    %dma_start3A_44 = arith.constant 0 : i32
    %dma_start3A_45 = tpu.memref_slice %arg6[%dma_start3A_44, %multiple_of3A_29] : memref<32x1000000xf32, #tpu.memory_space<hbm>> -> memref<32x128xf32, #tpu.memory_space<hbm>>
    tpu.enqueue_dma source(%dma_start3A_45 : memref<32x128xf32, #tpu.memory_space<hbm>>) target(%arg16 : memref<32x128xf32, #tpu.memory_space<vmem>>) target_semaphore(%arg42 : memref<!tpu.dma_semaphore, #tpu.memory_space<semaphore_mem>>)
    %dma_start3A_46 = arith.constant 0 : i32
    %dma_start3A_47 = tpu.memref_slice %arg7[%dma_start3A_46, %multiple_of3A_34] : memref<32x1000000xf32, #tpu.memory_space<hbm>> -> memref<32x128xf32, #tpu.memory_space<hbm>>
    %dma_start3A_48 = arith.constant 0 : i32
    %dma_start3A_49 = tpu.memref_slice %arg7[%dma_start3A_48, %multiple_of3A_34] : memref<32x1000000xf32, #tpu.memory_space<hbm>> -> memref<32x128xf32, #tpu.memory_space<hbm>>
    tpu.enqueue_dma source(%dma_start3A_49 : memref<32x128xf32, #tpu.memory_space<hbm>>) target(%arg17 : memref<32x128xf32, #tpu.memory_space<vmem>>) target_semaphore(%arg42 : memref<!tpu.dma_semaphore, #tpu.memory_space<semaphore_mem>>)
    %multiple_of3A_50 = arith.constant 0 : i32
    %multiple_of3A_51 = tpu.assume_multiple %multiple_of3A_50, 16 : i32
    %get3A_52 = arith.index_cast %multiple_of3A_51 : i32 to index
    %get3A_53 = tpu.vector_load %arg12[%get3A_52] {strides = array<i32>} : memref<512xi32, #tpu.memory_space<vmem>>, vector<16xi32>,
    %get3A_54 = arith.index_cast %multiple_of3A_51 : i32 to index
    %get3A_55 = tpu.vector_load %arg13[%get3A_54] {strides = array<i32>} : memref<512xi32, #tpu.memory_space<vmem>>, vector<16xi32>,
    %eq3A_56 = arith.constant 1 : i32
    %eq3A_57 = vector.broadcast %eq3A_56 : i32 to vector<16xi32>
    %eq3A_58 = arith.cmpi eq, %iota3A, %eq3A_57 : vector<16xi32>
    %broadcast_in_dim3A_59 = arith.constant -1 : i32
    %broadcast_in_dim3A_60 = vector.broadcast %broadcast_in_dim3A_59 : i32 to vector<16xi32>
    %select_n3A_61 = arith.select %eq3A_58, %get3A_53, %broadcast_in_dim3A_60 : vector<16xi1>, vector<16xi32>
    %reduce_max3A_62 = arith.constant true
    %reduce_max3A_63 = vector.broadcast %reduce_max3A_62 : i1 to vector<16xi1>
    %reduce_max3A_64 = arith.constant -2147483648 : i32
    %reduce_max3A_65 = vector.broadcast %reduce_max3A_64 : i32 to vector<16xi32>
    %reduce_max3A_66 = arith.xori %select_n3A_61, %reduce_max3A_65 : vector<16xi32>
    %reduce_max3A_67 = tpu.scan <max>, %reduce_max3A_66 masked %reduce_max3A_63 : vector<16xi32>, vector<16xi1> -> vector<16xi32>
    %reduce_max3A_68 = arith.xori %reduce_max3A_67, %reduce_max3A_65 : vector<16xi32>
    %reduce_max3A_69 = vector.extract %reduce_max3A_68[15] : i32 from vector<16xi32>
    %select_n3A_70 = arith.select %eq3A_58, %get3A_55, %broadcast_in_dim3A_60 : vector<16xi1>, vector<16xi32>
    %reduce_max3A_71 = arith.constant true
    %reduce_max3A_72 = vector.broadcast %reduce_max3A_71 : i1 to vector<16xi1>
    %reduce_max3A_73 = arith.constant -2147483648 : i32
    %reduce_max3A_74 = vector.broadcast %reduce_max3A_73 : i32 to vector<16xi32>
    %reduce_max3A_75 = arith.xori %select_n3A_70, %reduce_max3A_74 : vector<16xi32>
    %reduce_max3A_76 = tpu.scan <max>, %reduce_max3A_75 masked %reduce_max3A_72 : vector<16xi32>, vector<16xi1> -> vector<16xi32>
    %reduce_max3A_77 = arith.xori %reduce_max3A_76, %reduce_max3A_74 : vector<16xi32>
    %reduce_max3A_78 = vector.extract %reduce_max3A_77[15] : i32 from vector<16xi32>
    %shift_right_arithmetic3A_79 = arith.constant 7 : i32
    %shift_right_arithmetic3A_80 = arith.shrsi %reduce_max3A_69, %shift_right_arithmetic3A_79 : i32
    %mul3A_81 = arith.constant 128 : i32
    %mul3A_82 = arith.muli %shift_right_arithmetic3A_80, %mul3A_81 : i32
    %multiple_of3A_83 = tpu.assume_multiple %mul3A_82, 128 : i32
    %shift_right_arithmetic3A_84 = arith.constant 7 : i32
    %shift_right_arithmetic3A_85 = arith.shrsi %reduce_max3A_78, %shift_right_arithmetic3A_84 : i32
    %mul3A_86 = arith.constant 128 : i32
    %mul3A_87 = arith.muli %shift_right_arithmetic3A_85, %mul3A_86 : i32
    %multiple_of3A_88 = tpu.assume_multiple %mul3A_87, 128 : i32
    %dma_start3A_89 = arith.constant 0 : i32
    %dma_start3A_90 = tpu.memref_slice %arg4[%dma_start3A_89, %multiple_of3A_83] : memref<16x1000000xf32, #tpu.memory_space<hbm>> -> memref<16x128xf32, #tpu.memory_space<hbm>>
    %dma_start3A_91 = arith.constant 0 : i32
    %dma_start3A_92 = tpu.memref_slice %arg4[%dma_start3A_91, %multiple_of3A_83] : memref<16x1000000xf32, #tpu.memory_space<hbm>> -> memref<16x128xf32, #tpu.memory_space<hbm>>
    tpu.enqueue_dma source(%dma_start3A_92 : memref<16x128xf32, #tpu.memory_space<hbm>>) target(%arg18 : memref<16x128xf32, #tpu.memory_space<vmem>>) target_semaphore(%arg43 : memref<!tpu.dma_semaphore, #tpu.memory_space<semaphore_mem>>)
    %dma_start3A_93 = arith.constant 0 : i32
    %dma_start3A_94 = tpu.memref_slice %arg5[%dma_start3A_93, %multiple_of3A_88] : memref<16x1000000xf32, #tpu.memory_space<hbm>> -> memref<16x128xf32, #tpu.memory_space<hbm>>
    %dma_start3A_95 = arith.constant 0 : i32
    %dma_start3A_96 = tpu.memref_slice %arg5[%dma_start3A_95, %multiple_of3A_88] : memref<16x1000000xf32, #tpu.memory_space<hbm>> -> memref<16x128xf32, #tpu.memory_space<hbm>>
    tpu.enqueue_dma source(%dma_start3A_96 : memref<16x128xf32, #tpu.memory_space<hbm>>) target(%arg19 : memref<16x128xf32, #tpu.memory_space<vmem>>) target_semaphore(%arg43 : memref<!tpu.dma_semaphore, #tpu.memory_space<semaphore_mem>>)
    %dma_start3A_97 = arith.constant 0 : i32
    %dma_start3A_98 = tpu.memref_slice %arg6[%dma_start3A_97, %multiple_of3A_83] : memref<32x1000000xf32, #tpu.memory_space<hbm>> -> memref<32x128xf32, #tpu.memory_space<hbm>>
    %dma_start3A_99 = arith.constant 0 : i32
    %dma_start3A_100 = tpu.memref_slice %arg6[%dma_start3A_99, %multiple_of3A_83] : memref<32x1000000xf32, #tpu.memory_space<hbm>> -> memref<32x128xf32, #tpu.memory_space<hbm>>
    tpu.enqueue_dma source(%dma_start3A_100 : memref<32x128xf32, #tpu.memory_space<hbm>>) target(%arg20 : memref<32x128xf32, #tpu.memory_space<vmem>>) target_semaphore(%arg43 : memref<!tpu.dma_semaphore, #tpu.memory_space<semaphore_mem>>)
    %dma_start3A_101 = arith.constant 0 : i32
    %dma_start3A_102 = tpu.memref_slice %arg7[%dma_start3A_101, %multiple_of3A_88] : memref<32x1000000xf32, #tpu.memory_space<hbm>> -> memref<32x128xf32, #tpu.memory_space<hbm>>
    %dma_start3A_103 = arith.constant 0 : i32
    %dma_start3A_104 = tpu.memref_slice %arg7[%dma_start3A_103, %multiple_of3A_88] : memref<32x1000000xf32, #tpu.memory_space<hbm>> -> memref<32x128xf32, #tpu.memory_space<hbm>>
    tpu.enqueue_dma source(%dma_start3A_104 : memref<32x128xf32, #tpu.memory_space<hbm>>) target(%arg21 : memref<32x128xf32, #tpu.memory_space<vmem>>) target_semaphore(%arg43 : memref<!tpu.dma_semaphore, #tpu.memory_space<semaphore_mem>>)
    %multiple_of3A_105 = arith.constant 0 : i32
    %multiple_of3A_106 = tpu.assume_multiple %multiple_of3A_105, 16 : i32
    %get3A_107 = arith.index_cast %multiple_of3A_106 : i32 to index
    %get3A_108 = tpu.vector_load %arg12[%get3A_107] {strides = array<i32>} : memref<512xi32, #tpu.memory_space<vmem>>, vector<16xi32>,
    %get3A_109 = arith.index_cast %multiple_of3A_106 : i32 to index
    %get3A_110 = tpu.vector_load %arg13[%get3A_109] {strides = array<i32>} : memref<512xi32, #tpu.memory_space<vmem>>, vector<16xi32>,
    %eq3A_111 = arith.constant 2 : i32
    %eq3A_112 = vector.broadcast %eq3A_111 : i32 to vector<16xi32>
    %eq3A_113 = arith.cmpi eq, %iota3A, %eq3A_112 : vector<16xi32>
    %broadcast_in_dim3A_114 = arith.constant -1 : i32
    %broadcast_in_dim3A_115 = vector.broadcast %broadcast_in_dim3A_114 : i32 to vector<16xi32>
    %select_n3A_116 = arith.select %eq3A_113, %get3A_108, %broadcast_in_dim3A_115 : vector<16xi1>, vector<16xi32>
    %reduce_max3A_117 = arith.constant true
    %reduce_max3A_118 = vector.broadcast %reduce_max3A_117 : i1 to vector<16xi1>
    %reduce_max3A_119 = arith.constant -2147483648 : i32
    %reduce_max3A_120 = vector.broadcast %reduce_max3A_119 : i32 to vector<16xi32>
    %reduce_max3A_121 = arith.xori %select_n3A_116, %reduce_max3A_120 : vector<16xi32>
    %reduce_max3A_122 = tpu.scan <max>, %reduce_max3A_121 masked %reduce_max3A_118 : vector<16xi32>, vector<16xi1> -> vector<16xi32>
    %reduce_max3A_123 = arith.xori %reduce_max3A_122, %reduce_max3A_120 : vector<16xi32>
    %reduce_max3A_124 = vector.extract %reduce_max3A_123[15] : i32 from vector<16xi32>
    %select_n3A_125 = arith.select %eq3A_113, %get3A_110, %broadcast_in_dim3A_115 : vector<16xi1>, vector<16xi32>
    %reduce_max3A_126 = arith.constant true
    %reduce_max3A_127 = vector.broadcast %reduce_max3A_126 : i1 to vector<16xi1>
    %reduce_max3A_128 = arith.constant -2147483648 : i32
    %reduce_max3A_129 = vector.broadcast %reduce_max3A_128 : i32 to vector<16xi32>
    %reduce_max3A_130 = arith.xori %select_n3A_125, %reduce_max3A_129 : vector<16xi32>
    %reduce_max3A_131 = tpu.scan <max>, %reduce_max3A_130 masked %reduce_max3A_127 : vector<16xi32>, vector<16xi1> -> vector<16xi32>
    %reduce_max3A_132 = arith.xori %reduce_max3A_131, %reduce_max3A_129 : vector<16xi32>
    %reduce_max3A_133 = vector.extract %reduce_max3A_132[15] : i32 from vector<16xi32>
    %shift_right_arithmetic3A_134 = arith.constant 7 : i32
    %shift_right_arithmetic3A_135 = arith.shrsi %reduce_max3A_124, %shift_right_arithmetic3A_134 : i32
    %mul3A_136 = arith.constant 128 : i32
    %mul3A_137 = arith.muli %shift_right_arithmetic3A_135, %mul3A_136 : i32
    %multiple_of3A_138 = tpu.assume_multiple %mul3A_137, 128 : i32
    %shift_right_arithmetic3A_139 = arith.constant 7 : i32
    %shift_right_arithmetic3A_140 = arith.shrsi %reduce_max3A_133, %shift_right_arithmetic3A_139 : i32
    %mul3A_141 = arith.constant 128 : i32
    %mul3A_142 = arith.muli %shift_right_arithmetic3A_140, %mul3A_141 : i32
    %multiple_of3A_143 = tpu.assume_multiple %mul3A_142, 128 : i32
    %dma_start3A_144 = arith.constant 0 : i32
    %dma_start3A_145 = tpu.memref_slice %arg4[%dma_start3A_144, %multiple_of3A_138] : memref<16x1000000xf32, #tpu.memory_space<hbm>> -> memref<16x128xf32, #tpu.memory_space<hbm>>
    %dma_start3A_146 = arith.constant 0 : i32
    %dma_start3A_147 = tpu.memref_slice %arg4[%dma_start3A_146, %multiple_of3A_138] : memref<16x1000000xf32, #tpu.memory_space<hbm>> -> memref<16x128xf32, #tpu.memory_space<hbm>>
    tpu.enqueue_dma source(%dma_start3A_147 : memref<16x128xf32, #tpu.memory_space<hbm>>) target(%arg22 : memref<16x128xf32, #tpu.memory_space<vmem>>) target_semaphore(%arg44 : memref<!tpu.dma_semaphore, #tpu.memory_space<semaphore_mem>>)
    %dma_start3A_148 = arith.constant 0 : i32
    %dma_start3A_149 = tpu.memref_slice %arg5[%dma_start3A_148, %multiple_of3A_143] : memref<16x1000000xf32, #tpu.memory_space<hbm>> -> memref<16x128xf32, #tpu.memory_space<hbm>>
    %dma_start3A_150 = arith.constant 0 : i32
    %dma_start3A_151 = tpu.memref_slice %arg5[%dma_start3A_150, %multiple_of3A_143] : memref<16x1000000xf32, #tpu.memory_space<hbm>> -> memref<16x128xf32, #tpu.memory_space<hbm>>
    tpu.enqueue_dma source(%dma_start3A_151 : memref<16x128xf32, #tpu.memory_space<hbm>>) target(%arg23 : memref<16x128xf32, #tpu.memory_space<vmem>>) target_semaphore(%arg44 : memref<!tpu.dma_semaphore, #tpu.memory_space<semaphore_mem>>)
    %dma_start3A_152 = arith.constant 0 : i32
    %dma_start3A_153 = tpu.memref_slice %arg6[%dma_start3A_152, %multiple_of3A_138] : memref<32x1000000xf32, #tpu.memory_space<hbm>> -> memref<32x128xf32, #tpu.memory_space<hbm>>
    %dma_start3A_154 = arith.constant 0 : i32
    %dma_start3A_155 = tpu.memref_slice %arg6[%dma_start3A_154, %multiple_of3A_138] : memref<32x1000000xf32, #tpu.memory_space<hbm>> -> memref<32x128xf32, #tpu.memory_space<hbm>>
    tpu.enqueue_dma source(%dma_start3A_155 : memref<32x128xf32, #tpu.memory_space<hbm>>) target(%arg24 : memref<32x128xf32, #tpu.memory_space<vmem>>) target_semaphore(%arg44 : memref<!tpu.dma_semaphore, #tpu.memory_space<semaphore_mem>>)
    %dma_start3A_156 = arith.constant 0 : i32
    %dma_start3A_157 = tpu.memref_slice %arg7[%dma_start3A_156, %multiple_of3A_143] : memref<32x1000000xf32, #tpu.memory_space<hbm>> -> memref<32x128xf32, #tpu.memory_space<hbm>>
    %dma_start3A_158 = arith.constant 0 : i32
    %dma_start3A_159 = tpu.memref_slice %arg7[%dma_start3A_158, %multiple_of3A_143] : memref<32x1000000xf32, #tpu.memory_space<hbm>> -> memref<32x128xf32, #tpu.memory_space<hbm>>
    tpu.enqueue_dma source(%dma_start3A_159 : memref<32x128xf32, #tpu.memory_space<hbm>>) target(%arg25 : memref<32x128xf32, #tpu.memory_space<vmem>>) target_semaphore(%arg44 : memref<!tpu.dma_semaphore, #tpu.memory_space<semaphore_mem>>)
    %multiple_of3A_160 = arith.constant 0 : i32
    %multiple_of3A_161 = tpu.assume_multiple %multiple_of3A_160, 16 : i32
    %get3A_162 = arith.index_cast %multiple_of3A_161 : i32 to index
    %get3A_163 = tpu.vector_load %arg12[%get3A_162] {strides = array<i32>} : memref<512xi32, #tpu.memory_space<vmem>>, vector<16xi32>,
    %get3A_164 = arith.index_cast %multiple_of3A_161 : i32 to index
    %get3A_165 = tpu.vector_load %arg13[%get3A_164] {strides = array<i32>} : memref<512xi32, #tpu.memory_space<vmem>>, vector<16xi32>,
    %eq3A_166 = arith.constant 3 : i32
    %eq3A_167 = vector.broadcast %eq3A_166 : i32 to vector<16xi32>
    %eq3A_168 = arith.cmpi eq, %iota3A, %eq3A_167 : vector<16xi32>
    %broadcast_in_dim3A_169 = arith.constant -1 : i32
    %broadcast_in_dim3A_170 = vector.broadcast %broadcast_in_dim3A_169 : i32 to vector<16xi32>
    %select_n3A_171 = arith.select %eq3A_168, %get3A_163, %broadcast_in_dim3A_170 : vector<16xi1>, vector<16xi32>
    %reduce_max3A_172 = arith.constant true
    %reduce_max3A_173 = vector.broadcast %reduce_max3A_172 : i1 to vector<16xi1>
    %reduce_max3A_174 = arith.constant -2147483648 : i32
    %reduce_max3A_175 = vector.broadcast %reduce_max3A_174 : i32 to vector<16xi32>
    %reduce_max3A_176 = arith.xori %select_n3A_171, %reduce_max3A_175 : vector<16xi32>
    %reduce_max3A_177 = tpu.scan <max>, %reduce_max3A_176 masked %reduce_max3A_173 : vector<16xi32>, vector<16xi1> -> vector<16xi32>
    %reduce_max3A_178 = arith.xori %reduce_max3A_177, %reduce_max3A_175 : vector<16xi32>
    %reduce_max3A_179 = vector.extract %reduce_max3A_178[15] : i32 from vector<16xi32>
    %select_n3A_180 = arith.select %eq3A_168, %get3A_165, %broadcast_in_dim3A_170 : vector<16xi1>, vector<16xi32>
    %reduce_max3A_181 = arith.constant true
    %reduce_max3A_182 = vector.broadcast %reduce_max3A_181 : i1 to vector<16xi1>
    %reduce_max3A_183 = arith.constant -2147483648 : i32
    %reduce_max3A_184 = vector.broadcast %reduce_max3A_183 : i32 to vector<16xi32>
    %reduce_max3A_185 = arith.xori %select_n3A_180, %reduce_max3A_184 : vector<16xi32>
    %reduce_max3A_186 = tpu.scan <max>, %reduce_max3A_185 masked %reduce_max3A_182 : vector<16xi32>, vector<16xi1> -> vector<16xi32>
    %reduce_max3A_187 = arith.xori %reduce_max3A_186, %reduce_max3A_184 : vector<16xi32>
    %reduce_max3A_188 = vector.extract %reduce_max3A_187[15] : i32 from vector<16xi32>
    %shift_right_arithmetic3A_189 = arith.constant 7 : i32
    %shift_right_arithmetic3A_190 = arith.shrsi %reduce_max3A_179, %shift_right_arithmetic3A_189 : i32
    %mul3A_191 = arith.constant 128 : i32
    %mul3A_192 = arith.muli %shift_right_arithmetic3A_190, %mul3A_191 : i32
    %multiple_of3A_193 = tpu.assume_multiple %mul3A_192, 128 : i32
    %shift_right_arithmetic3A_194 = arith.constant 7 : i32
    %shift_right_arithmetic3A_195 = arith.shrsi %reduce_max3A_188, %shift_right_arithmetic3A_194 : i32
    %mul3A_196 = arith.constant 128 : i32
    %mul3A_197 = arith.muli %shift_right_arithmetic3A_195, %mul3A_196 : i32
    %multiple_of3A_198 = tpu.assume_multiple %mul3A_197, 128 : i32
    %dma_start3A_199 = arith.constant 0 : i32
    %dma_start3A_200 = tpu.memref_slice %arg4[%dma_start3A_199, %multiple_of3A_193] : memref<16x1000000xf32, #tpu.memory_space<hbm>> -> memref<16x128xf32, #tpu.memory_space<hbm>>
    %dma_start3A_201 = arith.constant 0 : i32
    %dma_start3A_202 = tpu.memref_slice %arg4[%dma_start3A_201, %multiple_of3A_193] : memref<16x1000000xf32, #tpu.memory_space<hbm>> -> memref<16x128xf32, #tpu.memory_space<hbm>>
    tpu.enqueue_dma source(%dma_start3A_202 : memref<16x128xf32, #tpu.memory_space<hbm>>) target(%arg26 : memref<16x128xf32, #tpu.memory_space<vmem>>) target_semaphore(%arg45 : memref<!tpu.dma_semaphore, #tpu.memory_space<semaphore_mem>>)
    %dma_start3A_203 = arith.constant 0 : i32
    %dma_start3A_204 = tpu.memref_slice %arg5[%dma_start3A_203, %multiple_of3A_198] : memref<16x1000000xf32, #tpu.memory_space<hbm>> -> memref<16x128xf32, #tpu.memory_space<hbm>>
    %dma_start3A_205 = arith.constant 0 : i32
    %dma_start3A_206 = tpu.memref_slice %arg5[%dma_start3A_205, %multiple_of3A_198] : memref<16x1000000xf32, #tpu.memory_space<hbm>> -> memref<16x128xf32, #tpu.memory_space<hbm>>
    tpu.enqueue_dma source(%dma_start3A_206 : memref<16x128xf32, #tpu.memory_space<hbm>>) target(%arg27 : memref<16x128xf32, #tpu.memory_space<vmem>>) target_semaphore(%arg45 : memref<!tpu.dma_semaphore, #tpu.memory_space<semaphore_mem>>)
    %dma_start3A_207 = arith.constant 0 : i32
    %dma_start3A_208 = tpu.memref_slice %arg6[%dma_start3A_207, %multiple_of3A_193] : memref<32x1000000xf32, #tpu.memory_space<hbm>> -> memref<32x128xf32, #tpu.memory_space<hbm>>
    %dma_start3A_209 = arith.constant 0 : i32
    %dma_start3A_210 = tpu.memref_slice %arg6[%dma_start3A_209, %multiple_of3A_193] : memref<32x1000000xf32, #tpu.memory_space<hbm>> -> memref<32x128xf32, #tpu.memory_space<hbm>>
    tpu.enqueue_dma source(%dma_start3A_210 : memref<32x128xf32, #tpu.memory_space<hbm>>) target(%arg28 : memref<32x128xf32, #tpu.memory_space<vmem>>) target_semaphore(%arg45 : memref<!tpu.dma_semaphore, #tpu.memory_space<semaphore_mem>>)
    %dma_start3A_211 = arith.constant 0 : i32
    %dma_start3A_212 = tpu.memref_slice %arg7[%dma_start3A_211, %multiple_of3A_198] : memref<32x1000000xf32, #tpu.memory_space<hbm>> -> memref<32x128xf32, #tpu.memory_space<hbm>>
    %dma_start3A_213 = arith.constant 0 : i32
    %dma_start3A_214 = tpu.memref_slice %arg7[%dma_start3A_213, %multiple_of3A_198] : memref<32x1000000xf32, #tpu.memory_space<hbm>> -> memref<32x128xf32, #tpu.memory_space<hbm>>
    tpu.enqueue_dma source(%dma_start3A_214 : memref<32x128xf32, #tpu.memory_space<hbm>>) target(%arg29 : memref<32x128xf32, #tpu.memory_space<vmem>>) target_semaphore(%arg45 : memref<!tpu.dma_semaphore, #tpu.memory_space<semaphore_mem>>)
    %multiple_of3A_215 = arith.constant 0 : i32
    %multiple_of3A_216 = tpu.assume_multiple %multiple_of3A_215, 16 : i32
    %get3A_217 = arith.index_cast %multiple_of3A_216 : i32 to index
    %get3A_218 = tpu.vector_load %arg12[%get3A_217] {strides = array<i32>} : memref<512xi32, #tpu.memory_space<vmem>>, vector<16xi32>,
    %get3A_219 = arith.index_cast %multiple_of3A_216 : i32 to index
    %get3A_220 = tpu.vector_load %arg13[%get3A_219] {strides = array<i32>} : memref<512xi32, #tpu.memory_space<vmem>>, vector<16xi32>,
    %eq3A_221 = arith.constant 4 : i32
    %eq3A_222 = vector.broadcast %eq3A_221 : i32 to vector<16xi32>
    %eq3A_223 = arith.cmpi eq, %iota3A, %eq3A_222 : vector<16xi32>
    %broadcast_in_dim3A_224 = arith.constant -1 : i32
    %broadcast_in_dim3A_225 = vector.broadcast %broadcast_in_dim3A_224 : i32 to vector<16xi32>
    %select_n3A_226 = arith.select %eq3A_223, %get3A_218, %broadcast_in_dim3A_225 : vector<16xi1>, vector<16xi32>
    %reduce_max3A_227 = arith.constant true
    %reduce_max3A_228 = vector.broadcast %reduce_max3A_227 : i1 to vector<16xi1>
    %reduce_max3A_229 = arith.constant -2147483648 : i32
    %reduce_max3A_230 = vector.broadcast %reduce_max3A_229 : i32 to vector<16xi32>
    %reduce_max3A_231 = arith.xori %select_n3A_226, %reduce_max3A_230 : vector<16xi32>
    %reduce_max3A_232 = tpu.scan <max>, %reduce_max3A_231 masked %reduce_max3A_228 : vector<16xi32>, vector<16xi1> -> vector<16xi32>
    %reduce_max3A_233 = arith.xori %reduce_max3A_232, %reduce_max3A_230 : vector<16xi32>
    %reduce_max3A_234 = vector.extract %reduce_max3A_233[15] : i32 from vector<16xi32>
    %select_n3A_235 = arith.select %eq3A_223, %get3A_220, %broadcast_in_dim3A_225 : vector<16xi1>, vector<16xi32>
    %reduce_max3A_236 = arith.constant true
    %reduce_max3A_237 = vector.broadcast %reduce_max3A_236 : i1 to vector<16xi1>
    %reduce_max3A_238 = arith.constant -2147483648 : i32
    %reduce_max3A_239 = vector.broadcast %reduce_max3A_238 : i32 to vector<16xi32>
    %reduce_max3A_240 = arith.xori %select_n3A_235, %reduce_max3A_239 : vector<16xi32>
    %reduce_max3A_241 = tpu.scan <max>, %reduce_max3A_240 masked %reduce_max3A_237 : vector<16xi32>, vector<16xi1> -> vector<16xi32>
    %reduce_max3A_242 = arith.xori %reduce_max3A_241, %reduce_max3A_239 : vector<16xi32>
    %reduce_max3A_243 = vector.extract %reduce_max3A_242[15] : i32 from vector<16xi32>
    %shift_right_arithmetic3A_244 = arith.constant 7 : i32
    %shift_right_arithmetic3A_245 = arith.shrsi %reduce_max3A_234, %shift_right_arithmetic3A_244 : i32
    %mul3A_246 = arith.constant 128 : i32
    %mul3A_247 = arith.muli %shift_right_arithmetic3A_245, %mul3A_246 : i32
    %multiple_of3A_248 = tpu.assume_multiple %mul3A_247, 128 : i32
    %shift_right_arithmetic3A_249 = arith.constant 7 : i32
    %shift_right_arithmetic3A_250 = arith.shrsi %reduce_max3A_243, %shift_right_arithmetic3A_249 : i32
    %mul3A_251 = arith.constant 128 : i32
    %mul3A_252 = arith.muli %shift_right_arithmetic3A_250, %mul3A_251 : i32
    %multiple_of3A_253 = tpu.assume_multiple %mul3A_252, 128 : i32
    %dma_start3A_254 = arith.constant 0 : i32
    %dma_start3A_255 = tpu.memref_slice %arg4[%dma_start3A_254, %multiple_of3A_248] : memref<16x1000000xf32, #tpu.memory_space<hbm>> -> memref<16x128xf32, #tpu.memory_space<hbm>>
    %dma_start3A_256 = arith.constant 0 : i32
    %dma_start3A_257 = tpu.memref_slice %arg4[%dma_start3A_256, %multiple_of3A_248] : memref<16x1000000xf32, #tpu.memory_space<hbm>> -> memref<16x128xf32, #tpu.memory_space<hbm>>
    tpu.enqueue_dma source(%dma_start3A_257 : memref<16x128xf32, #tpu.memory_space<hbm>>) target(%arg30 : memref<16x128xf32, #tpu.memory_space<vmem>>) target_semaphore(%arg46 : memref<!tpu.dma_semaphore, #tpu.memory_space<semaphore_mem>>)
    %dma_start3A_258 = arith.constant 0 : i32
    %dma_start3A_259 = tpu.memref_slice %arg5[%dma_start3A_258, %multiple_of3A_253] : memref<16x1000000xf32, #tpu.memory_space<hbm>> -> memref<16x128xf32, #tpu.memory_space<hbm>>
    %dma_start3A_260 = arith.constant 0 : i32
    %dma_start3A_261 = tpu.memref_slice %arg5[%dma_start3A_260, %multiple_of3A_253] : memref<16x1000000xf32, #tpu.memory_space<hbm>> -> memref<16x128xf32, #tpu.memory_space<hbm>>
    tpu.enqueue_dma source(%dma_start3A_261 : memref<16x128xf32, #tpu.memory_space<hbm>>) target(%arg31 : memref<16x128xf32, #tpu.memory_space<vmem>>) target_semaphore(%arg46 : memref<!tpu.dma_semaphore, #tpu.memory_space<semaphore_mem>>)
    %dma_start3A_262 = arith.constant 0 : i32
    %dma_start3A_263 = tpu.memref_slice %arg6[%dma_start3A_262, %multiple_of3A_248] : memref<32x1000000xf32, #tpu.memory_space<hbm>> -> memref<32x128xf32, #tpu.memory_space<hbm>>
    %dma_start3A_264 = arith.constant 0 : i32
    %dma_start3A_265 = tpu.memref_slice %arg6[%dma_start3A_264, %multiple_of3A_248] : memref<32x1000000xf32, #tpu.memory_space<hbm>> -> memref<32x128xf32, #tpu.memory_space<hbm>>
    tpu.enqueue_dma source(%dma_start3A_265 : memref<32x128xf32, #tpu.memory_space<hbm>>) target(%arg32 : memref<32x128xf32, #tpu.memory_space<vmem>>) target_semaphore(%arg46 : memref<!tpu.dma_semaphore, #tpu.memory_space<semaphore_mem>>)
    %dma_start3A_266 = arith.constant 0 : i32
    %dma_start3A_267 = tpu.memref_slice %arg7[%dma_start3A_266, %multiple_of3A_253] : memref<32x1000000xf32, #tpu.memory_space<hbm>> -> memref<32x128xf32, #tpu.memory_space<hbm>>
    %dma_start3A_268 = arith.constant 0 : i32
    %dma_start3A_269 = tpu.memref_slice %arg7[%dma_start3A_268, %multiple_of3A_253] : memref<32x1000000xf32, #tpu.memory_space<hbm>> -> memref<32x128xf32, #tpu.memory_space<hbm>>
    tpu.enqueue_dma source(%dma_start3A_269 : memref<32x128xf32, #tpu.memory_space<hbm>>) target(%arg33 : memref<32x128xf32, #tpu.memory_space<vmem>>) target_semaphore(%arg46 : memref<!tpu.dma_semaphore, #tpu.memory_space<semaphore_mem>>)
    %scan3A = arith.constant 0 : i32
    %scan3A_270 = arith.constant 512 : i32
    %scan3A_271 = arith.addi %scan3A, %scan3A_270 : i32
    %scan3A_272 = arith.constant 1 : i32
    %scan3A_273:10 = scf.for %scan3A_402 = %scan3A to %scan3A_271 step %scan3A_272 iter_args(%scan3A_403 = %reduce_max3A_16, %scan3A_404 = %reduce_max3A_25, %scan3A_405 = %reduce_max3A_69, %scan3A_406 = %reduce_max3A_78, %scan3A_407 = %reduce_max3A_124, %scan3A_408 = %reduce_max3A_133, %scan3A_409 = %reduce_max3A_179, %scan3A_410 = %reduce_max3A_188, %scan3A_411 = %reduce_max3A_234, %scan3A_412 = %reduce_max3A_243) -> (i32, i32, i32, i32, i32, i32, i32, i32, i32, i32)  : i32 {
      %add3A_413 = arith.constant 5 : i32
      %add3A_414 = arith.addi %scan3A_402, %add3A_413 : i32
      %min3A = arith.constant 511 : i32
      %min3A_415 = arith.minsi %add3A_414, %min3A : i32
      %shift_right_arithmetic3A_416 = arith.constant 4 : i32
      %shift_right_arithmetic3A_417 = arith.shrsi %min3A_415, %shift_right_arithmetic3A_416 : i32
      %mul3A_418 = arith.constant 16 : i32
      %mul3A_419 = arith.muli %shift_right_arithmetic3A_417, %mul3A_418 : i32
      %multiple_of3A_420 = tpu.assume_multiple %mul3A_419, 16 : i32
      %get3A_421 = arith.index_cast %multiple_of3A_420 : i32 to index
      %get3A_422 = tpu.vector_load %arg12[%get3A_421] {strides = array<i32>} : memref<512xi32, #tpu.memory_space<vmem>>, vector<16xi32>,
      %get3A_423 = arith.index_cast %multiple_of3A_420 : i32 to index
      %get3A_424 = tpu.vector_load %arg13[%get3A_423] {strides = array<i32>} : memref<512xi32, #tpu.memory_space<vmem>>, vector<16xi32>,
      %and3A = arith.constant 15 : i32
      %and3A_425 = arith.andi %min3A_415, %and3A : i32
      %eq3A_426 = vector.broadcast %and3A_425 : i32 to vector<16xi32>
      %eq3A_427 = arith.cmpi eq, %iota3A, %eq3A_426 : vector<16xi32>
      %broadcast_in_dim3A_428 = arith.constant -1 : i32
      %broadcast_in_dim3A_429 = vector.broadcast %broadcast_in_dim3A_428 : i32 to vector<16xi32>
      %select_n3A_430 = arith.select %eq3A_427, %get3A_422, %broadcast_in_dim3A_429 : vector<16xi1>, vector<16xi32>
      %reduce_max3A_431 = arith.constant true
      %reduce_max3A_432 = vector.broadcast %reduce_max3A_431 : i1 to vector<16xi1>
      %reduce_max3A_433 = arith.constant -2147483648 : i32
      %reduce_max3A_434 = vector.broadcast %reduce_max3A_433 : i32 to vector<16xi32>
      %reduce_max3A_435 = arith.xori %select_n3A_430, %reduce_max3A_434 : vector<16xi32>
      %reduce_max3A_436 = tpu.scan <max>, %reduce_max3A_435 masked %reduce_max3A_432 : vector<16xi32>, vector<16xi1> -> vector<16xi32>
      %reduce_max3A_437 = arith.xori %reduce_max3A_436, %reduce_max3A_434 : vector<16xi32>
      %reduce_max3A_438 = vector.extract %reduce_max3A_437[15] : i32 from vector<16xi32>
      %select_n3A_439 = arith.select %eq3A_427, %get3A_424, %broadcast_in_dim3A_429 : vector<16xi1>, vector<16xi32>
      %reduce_max3A_440 = arith.constant true
      %reduce_max3A_441 = vector.broadcast %reduce_max3A_440 : i1 to vector<16xi1>
      %reduce_max3A_442 = arith.constant -2147483648 : i32
      %reduce_max3A_443 = vector.broadcast %reduce_max3A_442 : i32 to vector<16xi32>
      %reduce_max3A_444 = arith.xori %select_n3A_439, %reduce_max3A_443 : vector<16xi32>
      %reduce_max3A_445 = tpu.scan <max>, %reduce_max3A_444 masked %reduce_max3A_441 : vector<16xi32>, vector<16xi1> -> vector<16xi32>
      %reduce_max3A_446 = arith.xori %reduce_max3A_445, %reduce_max3A_443 : vector<16xi32>
      %reduce_max3A_447 = vector.extract %reduce_max3A_446[15] : i32 from vector<16xi32>
      %jit3A = arith.constant 6 : i32
      %eq3A_448 = arith.constant 0 : i32
      %eq3A_449 = arith.cmpi eq, %jit3A, %eq3A_448 : i32
      %jit3A_450 = arith.constant 1 : i32
      %select_n3A_451 = arith.select %eq3A_449, %jit3A_450, %jit3A : i32
      %rem3A = arith.remsi %scan3A_402, %select_n3A_451 : i32
      %ne3A = arith.constant 0 : i32
      %ne3A_452 = arith.cmpi ne, %rem3A, %ne3A : i32
      %lt3A = arith.constant 0 : i32
      %lt3A_453 = arith.cmpi slt, %rem3A, %lt3A : i32
      %lt3A_454 = arith.constant 0 : i32
      %lt3A_455 = arith.cmpi slt, %select_n3A_451, %lt3A_454 : i32
      %ne3A_456 = arith.xori %lt3A_453, %lt3A_455 : i1
      %and3A_457 = arith.andi %ne3A_456, %ne3A_452 : i1
      %add3A_458 = arith.addi %rem3A, %select_n3A_451 : i32
      %select_n3A_459 = arith.select %and3A_457, %add3A_458, %rem3A : i32
      %eq3A_460 = arith.constant 0 : i32
      %eq3A_461 = arith.cmpi eq, %select_n3A_459, %eq3A_460 : i32
      %convert_element_type3A = arith.extui %eq3A_461 : i1 to i32
      %cond3A = arith.constant 0 : i32
      %cond3A_462 = arith.cmpi ne, %convert_element_type3A, %cond3A : i32
      scf.if %cond3A_462 {
        %shift_right_arithmetic3A_568 = arith.constant 7 : i32
        %shift_right_arithmetic3A_569 = arith.shrsi %reduce_max3A_438, %shift_right_arithmetic3A_568 : i32
        %mul3A_570 = arith.constant 128 : i32
        %mul3A_571 = arith.muli %shift_right_arithmetic3A_569, %mul3A_570 : i32
        %multiple_of3A_572 = tpu.assume_multiple %mul3A_571, 128 : i32
        %shift_right_arithmetic3A_573 = arith.constant 7 : i32
        %shift_right_arithmetic3A_574 = arith.shrsi %reduce_max3A_447, %shift_right_arithmetic3A_573 : i32
        %mul3A_575 = arith.constant 128 : i32
        %mul3A_576 = arith.muli %shift_right_arithmetic3A_574, %mul3A_575 : i32
        %multiple_of3A_577 = tpu.assume_multiple %mul3A_576, 128 : i32
        %dma_start3A_578 = arith.constant 0 : i32
        %dma_start3A_579 = tpu.memref_slice %arg4[%dma_start3A_578, %multiple_of3A_572] : memref<16x1000000xf32, #tpu.memory_space<hbm>> -> memref<16x128xf32, #tpu.memory_space<hbm>>
        %dma_start3A_580 = arith.constant 0 : i32
        %dma_start3A_581 = tpu.memref_slice %arg4[%dma_start3A_580, %multiple_of3A_572] : memref<16x1000000xf32, #tpu.memory_space<hbm>> -> memref<16x128xf32, #tpu.memory_space<hbm>>
        tpu.enqueue_dma source(%dma_start3A_581 : memref<16x128xf32, #tpu.memory_space<hbm>>) target(%arg34 : memref<16x128xf32, #tpu.memory_space<vmem>>) target_semaphore(%arg47 : memref<!tpu.dma_semaphore, #tpu.memory_space<semaphore_mem>>)
        %dma_start3A_582 = arith.constant 0 : i32
        %dma_start3A_583 = tpu.memref_slice %arg5[%dma_start3A_582, %multiple_of3A_577] : memref<16x1000000xf32, #tpu.memory_space<hbm>> -> memref<16x128xf32, #tpu.memory_space<hbm>>
        %dma_start3A_584 = arith.constant 0 : i32
        %dma_start3A_585 = tpu.memref_slice %arg5[%dma_start3A_584, %multiple_of3A_577] : memref<16x1000000xf32, #tpu.memory_space<hbm>> -> memref<16x128xf32, #tpu.memory_space<hbm>>
        tpu.enqueue_dma source(%dma_start3A_585 : memref<16x128xf32, #tpu.memory_space<hbm>>) target(%arg35 : memref<16x128xf32, #tpu.memory_space<vmem>>) target_semaphore(%arg47 : memref<!tpu.dma_semaphore, #tpu.memory_space<semaphore_mem>>)
        %dma_start3A_586 = arith.constant 0 : i32
        %dma_start3A_587 = tpu.memref_slice %arg6[%dma_start3A_586, %multiple_of3A_572] : memref<32x1000000xf32, #tpu.memory_space<hbm>> -> memref<32x128xf32, #tpu.memory_space<hbm>>
        %dma_start3A_588 = arith.constant 0 : i32
        %dma_start3A_589 = tpu.memref_slice %arg6[%dma_start3A_588, %multiple_of3A_572] : memref<32x1000000xf32, #tpu.memory_space<hbm>> -> memref<32x128xf32, #tpu.memory_space<hbm>>
        tpu.enqueue_dma source(%dma_start3A_589 : memref<32x128xf32, #tpu.memory_space<hbm>>) target(%arg36 : memref<32x128xf32, #tpu.memory_space<vmem>>) target_semaphore(%arg47 : memref<!tpu.dma_semaphore, #tpu.memory_space<semaphore_mem>>)
        %dma_start3A_590 = arith.constant 0 : i32
        %dma_start3A_591 = tpu.memref_slice %arg7[%dma_start3A_590, %multiple_of3A_577] : memref<32x1000000xf32, #tpu.memory_space<hbm>> -> memref<32x128xf32, #tpu.memory_space<hbm>>
        %dma_start3A_592 = arith.constant 0 : i32
        %dma_start3A_593 = tpu.memref_slice %arg7[%dma_start3A_592, %multiple_of3A_577] : memref<32x1000000xf32, #tpu.memory_space<hbm>> -> memref<32x128xf32, #tpu.memory_space<hbm>>
        tpu.enqueue_dma source(%dma_start3A_593 : memref<32x128xf32, #tpu.memory_space<hbm>>) target(%arg37 : memref<32x128xf32, #tpu.memory_space<vmem>>) target_semaphore(%arg47 : memref<!tpu.dma_semaphore, #tpu.memory_space<semaphore_mem>>)
        %dma_wait3A_594 = arith.constant 0 : i32
        %dma_wait3A_595 = arith.constant 0 : i32
        %dma_wait3A_596 = tpu.memref_slice %arg4[%dma_wait3A_594, %dma_wait3A_595] : memref<16x1000000xf32, #tpu.memory_space<hbm>> -> memref<16x128xf32, #tpu.memory_space<hbm>>
        %dma_wait3A_597 = arith.constant 0 : i32
        %dma_wait3A_598 = arith.constant 0 : i32
        %dma_wait3A_599 = tpu.memref_slice %arg4[%dma_wait3A_597, %dma_wait3A_598] : memref<16x1000000xf32, #tpu.memory_space<hbm>> -> memref<16x128xf32, #tpu.memory_space<hbm>>
        tpu.wait_dma2 semaphore(%arg42 : memref<!tpu.dma_semaphore, #tpu.memory_space<semaphore_mem>>) src(%dma_wait3A_599 : memref<16x128xf32, #tpu.memory_space<hbm>>) dst(%arg14 : memref<16x128xf32, #tpu.memory_space<vmem>>)
        %dma_wait3A_600 = arith.constant 0 : i32
        %dma_wait3A_601 = arith.constant 0 : i32
        %dma_wait3A_602 = tpu.memref_slice %arg5[%dma_wait3A_600, %dma_wait3A_601] : memref<16x1000000xf32, #tpu.memory_space<hbm>> -> memref<16x128xf32, #tpu.memory_space<hbm>>
        %dma_wait3A_603 = arith.constant 0 : i32
        %dma_wait3A_604 = arith.constant 0 : i32
        %dma_wait3A_605 = tpu.memref_slice %arg5[%dma_wait3A_603, %dma_wait3A_604] : memref<16x1000000xf32, #tpu.memory_space<hbm>> -> memref<16x128xf32, #tpu.memory_space<hbm>>
        tpu.wait_dma2 semaphore(%arg42 : memref<!tpu.dma_semaphore, #tpu.memory_space<semaphore_mem>>) src(%dma_wait3A_605 : memref<16x128xf32, #tpu.memory_space<hbm>>) dst(%arg15 : memref<16x128xf32, #tpu.memory_space<vmem>>)
        %dma_wait3A_606 = arith.constant 0 : i32
        %dma_wait3A_607 = arith.constant 0 : i32
        %dma_wait3A_608 = tpu.memref_slice %arg6[%dma_wait3A_606, %dma_wait3A_607] : memref<32x1000000xf32, #tpu.memory_space<hbm>> -> memref<32x128xf32, #tpu.memory_space<hbm>>
        %dma_wait3A_609 = arith.constant 0 : i32
        %dma_wait3A_610 = arith.constant 0 : i32
        %dma_wait3A_611 = tpu.memref_slice %arg6[%dma_wait3A_609, %dma_wait3A_610] : memref<32x1000000xf32, #tpu.memory_space<hbm>> -> memref<32x128xf32, #tpu.memory_space<hbm>>
        tpu.wait_dma2 semaphore(%arg42 : memref<!tpu.dma_semaphore, #tpu.memory_space<semaphore_mem>>) src(%dma_wait3A_611 : memref<32x128xf32, #tpu.memory_space<hbm>>) dst(%arg16 : memref<32x128xf32, #tpu.memory_space<vmem>>)
        %dma_wait3A_612 = arith.constant 0 : i32
        %dma_wait3A_613 = arith.constant 0 : i32
        %dma_wait3A_614 = tpu.memref_slice %arg7[%dma_wait3A_612, %dma_wait3A_613] : memref<32x1000000xf32, #tpu.memory_space<hbm>> -> memref<32x128xf32, #tpu.memory_space<hbm>>
        %dma_wait3A_615 = arith.constant 0 : i32
        %dma_wait3A_616 = arith.constant 0 : i32
        %dma_wait3A_617 = tpu.memref_slice %arg7[%dma_wait3A_615, %dma_wait3A_616] : memref<32x1000000xf32, #tpu.memory_space<hbm>> -> memref<32x128xf32, #tpu.memory_space<hbm>>
        tpu.wait_dma2 semaphore(%arg42 : memref<!tpu.dma_semaphore, #tpu.memory_space<semaphore_mem>>) src(%dma_wait3A_617 : memref<32x128xf32, #tpu.memory_space<hbm>>) dst(%arg17 : memref<32x128xf32, #tpu.memory_space<vmem>>)
        %and3A_618 = arith.constant 127 : i32
        %and3A_619 = arith.andi %scan3A_403, %and3A_618 : i32
        %broadcast_in_dim3A_620 = vector.broadcast %and3A_619 : i32 to vector<16xi32>
        %and3A_621 = arith.constant 127 : i32
        %and3A_622 = arith.andi %scan3A_404, %and3A_621 : i32
        %broadcast_in_dim3A_623 = vector.broadcast %and3A_622 : i32 to vector<16xi32>
        %gather3A = tpu.vector_load_idx %arg14[%iota3A, %broadcast_in_dim3A_620] : memref<16x128xf32, #tpu.memory_space<vmem>>[vector<16xi32>, vector<16xi32>], vector<16xf32>,
        %gather3A_624 = tpu.vector_load_idx %arg15[%iota3A, %broadcast_in_dim3A_623] : memref<16x128xf32, #tpu.memory_space<vmem>>[vector<16xi32>, vector<16xi32>], vector<16xf32>,
        %mul3A_625 = arith.constant 16 : i32
        %mul3A_626 = arith.muli %scan3A_402, %mul3A_625 : i32
        %multiple_of3A_627 = tpu.assume_multiple %mul3A_626, 16 : i32
        %swap3A = arith.index_cast %multiple_of3A_627 : i32 to index
        %swap3A_628 = tpu.vector_load %arg38[%swap3A] {strides = array<i32>} : memref<8192xf32, #tpu.memory_space<vmem>>, vector<16xf32>,
        tpu.vector_store %arg38[%swap3A], %gather3A {strides = array<i32>} : memref<8192xf32, #tpu.memory_space<vmem>>, vector<16xf32>,
        %swap3A_629 = arith.index_cast %multiple_of3A_627 : i32 to index
        %swap3A_630 = tpu.vector_load %arg39[%swap3A_629] {strides = array<i32>} : memref<8192xf32, #tpu.memory_space<vmem>>, vector<16xf32>,
        tpu.vector_store %arg39[%swap3A_629], %gather3A_624 {strides = array<i32>} : memref<8192xf32, #tpu.memory_space<vmem>>, vector<16xf32>,
        %gather3A_631 = tpu.vector_load_idx %arg16[%iota3A, %broadcast_in_dim3A_620] : memref<32x128xf32, #tpu.memory_space<vmem>>[vector<16xi32>, vector<16xi32>], vector<16xf32>,
        %add3A_632 = arith.constant 16 : i32
        %add3A_633 = vector.broadcast %add3A_632 : i32 to vector<16xi32>
        %add3A_634 = arith.addi %iota3A, %add3A_633 : vector<16xi32>
        %gather3A_635 = tpu.vector_load_idx %arg16[%add3A_634, %broadcast_in_dim3A_620] : memref<32x128xf32, #tpu.memory_space<vmem>>[vector<16xi32>, vector<16xi32>], vector<16xf32>,
        %gather3A_636 = tpu.vector_load_idx %arg17[%iota3A, %broadcast_in_dim3A_623] : memref<32x128xf32, #tpu.memory_space<vmem>>[vector<16xi32>, vector<16xi32>], vector<16xf32>,
        %add3A_637 = arith.constant 16 : i32
        %add3A_638 = vector.broadcast %add3A_637 : i32 to vector<16xi32>
        %add3A_639 = arith.addi %iota3A, %add3A_638 : vector<16xi32>
        %gather3A_640 = tpu.vector_load_idx %arg17[%add3A_639, %broadcast_in_dim3A_623] : memref<32x128xf32, #tpu.memory_space<vmem>>[vector<16xi32>, vector<16xi32>], vector<16xf32>,
        %mul3A_641 = arith.constant 32 : i32
        %mul3A_642 = arith.muli %scan3A_402, %mul3A_641 : i32
        %multiple_of3A_643 = tpu.assume_multiple %mul3A_642, 32 : i32
        %swap3A_644 = arith.index_cast %multiple_of3A_643 : i32 to index
        %swap3A_645 = tpu.vector_load %arg40[%swap3A_644] {strides = array<i32>} : memref<16384xf32, #tpu.memory_space<vmem>>, vector<16xf32>,
        tpu.vector_store %arg40[%swap3A_644], %gather3A_631 {strides = array<i32>} : memref<16384xf32, #tpu.memory_space<vmem>>, vector<16xf32>,
        %add3A_646 = arith.constant 16 : i32
        %add3A_647 = arith.addi %multiple_of3A_643, %add3A_646 : i32
        %swap3A_648 = arith.index_cast %add3A_647 : i32 to index
        %swap3A_649 = tpu.vector_load %arg40[%swap3A_648] {strides = array<i32>} : memref<16384xf32, #tpu.memory_space<vmem>>, vector<16xf32>,
        tpu.vector_store %arg40[%swap3A_648], %gather3A_635 {strides = array<i32>} : memref<16384xf32, #tpu.memory_space<vmem>>, vector<16xf32>,
        %swap3A_650 = arith.index_cast %multiple_of3A_643 : i32 to index
        %swap3A_651 = tpu.vector_load %arg41[%swap3A_650] {strides = array<i32>} : memref<16384xf32, #tpu.memory_space<vmem>>, vector<16xf32>,
        tpu.vector_store %arg41[%swap3A_650], %gather3A_636 {strides = array<i32>} : memref<16384xf32, #tpu.memory_space<vmem>>, vector<16xf32>,
        %add3A_652 = arith.constant 16 : i32
        %add3A_653 = arith.addi %multiple_of3A_643, %add3A_652 : i32
        %swap3A_654 = arith.index_cast %add3A_653 : i32 to index
        %swap3A_655 = tpu.vector_load %arg41[%swap3A_654] {strides = array<i32>} : memref<16384xf32, #tpu.memory_space<vmem>>, vector<16xf32>,
        tpu.vector_store %arg41[%swap3A_654], %gather3A_640 {strides = array<i32>} : memref<16384xf32, #tpu.memory_space<vmem>>, vector<16xf32>,
      } else {
      }
      %jit3A_463 = arith.constant 6 : i32
      %eq3A_464 = arith.constant 0 : i32
      %eq3A_465 = arith.cmpi eq, %jit3A_463, %eq3A_464 : i32
      %jit3A_466 = arith.constant 1 : i32
      %select_n3A_467 = arith.select %eq3A_465, %jit3A_466, %jit3A_463 : i32
      %rem3A_468 = arith.remsi %scan3A_402, %select_n3A_467 : i32
      %ne3A_469 = arith.constant 0 : i32
      %ne3A_470 = arith.cmpi ne, %rem3A_468, %ne3A_469 : i32
      %lt3A_471 = arith.constant 0 : i32
      %lt3A_472 = arith.cmpi slt, %rem3A_468, %lt3A_471 : i32
      %lt3A_473 = arith.constant 0 : i32
      %lt3A_474 = arith.cmpi slt, %select_n3A_467, %lt3A_473 : i32
      %ne3A_475 = arith.xori %lt3A_472, %lt3A_474 : i1
      %and3A_476 = arith.andi %ne3A_475, %ne3A_470 : i1
      %add3A_477 = arith.addi %rem3A_468, %select_n3A_467 : i32
      %select_n3A_478 = arith.select %and3A_476, %add3A_477, %rem3A_468 : i32
      %eq3A_479 = arith.constant 1 : i32
      %eq3A_480 = arith.cmpi eq, %select_n3A_478, %eq3A_479 : i32
      %convert_element_type3A_481 = arith.extui %eq3A_480 : i1 to i32
      %cond3A_482 = arith.constant 0 : i32
      %cond3A_483 = arith.cmpi ne, %convert_element_type3A_481, %cond3A_482 : i32
      scf.if %cond3A_483 {
        %shift_right_arithmetic3A_568 = arith.constant 7 : i32
        %shift_right_arithmetic3A_569 = arith.shrsi %reduce_max3A_438, %shift_right_arithmetic3A_568 : i32
        %mul3A_570 = arith.constant 128 : i32
        %mul3A_571 = arith.muli %shift_right_arithmetic3A_569, %mul3A_570 : i32
        %multiple_of3A_572 = tpu.assume_multiple %mul3A_571, 128 : i32
        %shift_right_arithmetic3A_573 = arith.constant 7 : i32
        %shift_right_arithmetic3A_574 = arith.shrsi %reduce_max3A_447, %shift_right_arithmetic3A_573 : i32
        %mul3A_575 = arith.constant 128 : i32
        %mul3A_576 = arith.muli %shift_right_arithmetic3A_574, %mul3A_575 : i32
        %multiple_of3A_577 = tpu.assume_multiple %mul3A_576, 128 : i32
        %dma_start3A_578 = arith.constant 0 : i32
        %dma_start3A_579 = tpu.memref_slice %arg4[%dma_start3A_578, %multiple_of3A_572] : memref<16x1000000xf32, #tpu.memory_space<hbm>> -> memref<16x128xf32, #tpu.memory_space<hbm>>
        %dma_start3A_580 = arith.constant 0 : i32
        %dma_start3A_581 = tpu.memref_slice %arg4[%dma_start3A_580, %multiple_of3A_572] : memref<16x1000000xf32, #tpu.memory_space<hbm>> -> memref<16x128xf32, #tpu.memory_space<hbm>>
        tpu.enqueue_dma source(%dma_start3A_581 : memref<16x128xf32, #tpu.memory_space<hbm>>) target(%arg14 : memref<16x128xf32, #tpu.memory_space<vmem>>) target_semaphore(%arg42 : memref<!tpu.dma_semaphore, #tpu.memory_space<semaphore_mem>>)
        %dma_start3A_582 = arith.constant 0 : i32
        %dma_start3A_583 = tpu.memref_slice %arg5[%dma_start3A_582, %multiple_of3A_577] : memref<16x1000000xf32, #tpu.memory_space<hbm>> -> memref<16x128xf32, #tpu.memory_space<hbm>>
        %dma_start3A_584 = arith.constant 0 : i32
        %dma_start3A_585 = tpu.memref_slice %arg5[%dma_start3A_584, %multiple_of3A_577] : memref<16x1000000xf32, #tpu.memory_space<hbm>> -> memref<16x128xf32, #tpu.memory_space<hbm>>
        tpu.enqueue_dma source(%dma_start3A_585 : memref<16x128xf32, #tpu.memory_space<hbm>>) target(%arg15 : memref<16x128xf32, #tpu.memory_space<vmem>>) target_semaphore(%arg42 : memref<!tpu.dma_semaphore, #tpu.memory_space<semaphore_mem>>)
        %dma_start3A_586 = arith.constant 0 : i32
        %dma_start3A_587 = tpu.memref_slice %arg6[%dma_start3A_586, %multiple_of3A_572] : memref<32x1000000xf32, #tpu.memory_space<hbm>> -> memref<32x128xf32, #tpu.memory_space<hbm>>
        %dma_start3A_588 = arith.constant 0 : i32
        %dma_start3A_589 = tpu.memref_slice %arg6[%dma_start3A_588, %multiple_of3A_572] : memref<32x1000000xf32, #tpu.memory_space<hbm>> -> memref<32x128xf32, #tpu.memory_space<hbm>>
        tpu.enqueue_dma source(%dma_start3A_589 : memref<32x128xf32, #tpu.memory_space<hbm>>) target(%arg16 : memref<32x128xf32, #tpu.memory_space<vmem>>) target_semaphore(%arg42 : memref<!tpu.dma_semaphore, #tpu.memory_space<semaphore_mem>>)
        %dma_start3A_590 = arith.constant 0 : i32
        %dma_start3A_591 = tpu.memref_slice %arg7[%dma_start3A_590, %multiple_of3A_577] : memref<32x1000000xf32, #tpu.memory_space<hbm>> -> memref<32x128xf32, #tpu.memory_space<hbm>>
        %dma_start3A_592 = arith.constant 0 : i32
        %dma_start3A_593 = tpu.memref_slice %arg7[%dma_start3A_592, %multiple_of3A_577] : memref<32x1000000xf32, #tpu.memory_space<hbm>> -> memref<32x128xf32, #tpu.memory_space<hbm>>
        tpu.enqueue_dma source(%dma_start3A_593 : memref<32x128xf32, #tpu.memory_space<hbm>>) target(%arg17 : memref<32x128xf32, #tpu.memory_space<vmem>>) target_semaphore(%arg42 : memref<!tpu.dma_semaphore, #tpu.memory_space<semaphore_mem>>)
        %dma_wait3A_594 = arith.constant 0 : i32
        %dma_wait3A_595 = arith.constant 0 : i32
        %dma_wait3A_596 = tpu.memref_slice %arg4[%dma_wait3A_594, %dma_wait3A_595] : memref<16x1000000xf32, #tpu.memory_space<hbm>> -> memref<16x128xf32, #tpu.memory_space<hbm>>
        %dma_wait3A_597 = arith.constant 0 : i32
        %dma_wait3A_598 = arith.constant 0 : i32
        %dma_wait3A_599 = tpu.memref_slice %arg4[%dma_wait3A_597, %dma_wait3A_598] : memref<16x1000000xf32, #tpu.memory_space<hbm>> -> memref<16x128xf32, #tpu.memory_space<hbm>>
        tpu.wait_dma2 semaphore(%arg43 : memref<!tpu.dma_semaphore, #tpu.memory_space<semaphore_mem>>) src(%dma_wait3A_599 : memref<16x128xf32, #tpu.memory_space<hbm>>) dst(%arg18 : memref<16x128xf32, #tpu.memory_space<vmem>>)
        %dma_wait3A_600 = arith.constant 0 : i32
        %dma_wait3A_601 = arith.constant 0 : i32
        %dma_wait3A_602 = tpu.memref_slice %arg5[%dma_wait3A_600, %dma_wait3A_601] : memref<16x1000000xf32, #tpu.memory_space<hbm>> -> memref<16x128xf32, #tpu.memory_space<hbm>>
        %dma_wait3A_603 = arith.constant 0 : i32
        %dma_wait3A_604 = arith.constant 0 : i32
        %dma_wait3A_605 = tpu.memref_slice %arg5[%dma_wait3A_603, %dma_wait3A_604] : memref<16x1000000xf32, #tpu.memory_space<hbm>> -> memref<16x128xf32, #tpu.memory_space<hbm>>
        tpu.wait_dma2 semaphore(%arg43 : memref<!tpu.dma_semaphore, #tpu.memory_space<semaphore_mem>>) src(%dma_wait3A_605 : memref<16x128xf32, #tpu.memory_space<hbm>>) dst(%arg19 : memref<16x128xf32, #tpu.memory_space<vmem>>)
        %dma_wait3A_606 = arith.constant 0 : i32
        %dma_wait3A_607 = arith.constant 0 : i32
        %dma_wait3A_608 = tpu.memref_slice %arg6[%dma_wait3A_606, %dma_wait3A_607] : memref<32x1000000xf32, #tpu.memory_space<hbm>> -> memref<32x128xf32, #tpu.memory_space<hbm>>
        %dma_wait3A_609 = arith.constant 0 : i32
        %dma_wait3A_610 = arith.constant 0 : i32
        %dma_wait3A_611 = tpu.memref_slice %arg6[%dma_wait3A_609, %dma_wait3A_610] : memref<32x1000000xf32, #tpu.memory_space<hbm>> -> memref<32x128xf32, #tpu.memory_space<hbm>>
        tpu.wait_dma2 semaphore(%arg43 : memref<!tpu.dma_semaphore, #tpu.memory_space<semaphore_mem>>) src(%dma_wait3A_611 : memref<32x128xf32, #tpu.memory_space<hbm>>) dst(%arg20 : memref<32x128xf32, #tpu.memory_space<vmem>>)
        %dma_wait3A_612 = arith.constant 0 : i32
        %dma_wait3A_613 = arith.constant 0 : i32
        %dma_wait3A_614 = tpu.memref_slice %arg7[%dma_wait3A_612, %dma_wait3A_613] : memref<32x1000000xf32, #tpu.memory_space<hbm>> -> memref<32x128xf32, #tpu.memory_space<hbm>>
        %dma_wait3A_615 = arith.constant 0 : i32
        %dma_wait3A_616 = arith.constant 0 : i32
        %dma_wait3A_617 = tpu.memref_slice %arg7[%dma_wait3A_615, %dma_wait3A_616] : memref<32x1000000xf32, #tpu.memory_space<hbm>> -> memref<32x128xf32, #tpu.memory_space<hbm>>
        tpu.wait_dma2 semaphore(%arg43 : memref<!tpu.dma_semaphore, #tpu.memory_space<semaphore_mem>>) src(%dma_wait3A_617 : memref<32x128xf32, #tpu.memory_space<hbm>>) dst(%arg21 : memref<32x128xf32, #tpu.memory_space<vmem>>)
        %and3A_618 = arith.constant 127 : i32
        %and3A_619 = arith.andi %scan3A_403, %and3A_618 : i32
        %broadcast_in_dim3A_620 = vector.broadcast %and3A_619 : i32 to vector<16xi32>
        %and3A_621 = arith.constant 127 : i32
        %and3A_622 = arith.andi %scan3A_404, %and3A_621 : i32
        %broadcast_in_dim3A_623 = vector.broadcast %and3A_622 : i32 to vector<16xi32>
        %gather3A = tpu.vector_load_idx %arg18[%iota3A, %broadcast_in_dim3A_620] : memref<16x128xf32, #tpu.memory_space<vmem>>[vector<16xi32>, vector<16xi32>], vector<16xf32>,
        %gather3A_624 = tpu.vector_load_idx %arg19[%iota3A, %broadcast_in_dim3A_623] : memref<16x128xf32, #tpu.memory_space<vmem>>[vector<16xi32>, vector<16xi32>], vector<16xf32>,
        %mul3A_625 = arith.constant 16 : i32
        %mul3A_626 = arith.muli %scan3A_402, %mul3A_625 : i32
        %multiple_of3A_627 = tpu.assume_multiple %mul3A_626, 16 : i32
        %swap3A = arith.index_cast %multiple_of3A_627 : i32 to index
        %swap3A_628 = tpu.vector_load %arg38[%swap3A] {strides = array<i32>} : memref<8192xf32, #tpu.memory_space<vmem>>, vector<16xf32>,
        tpu.vector_store %arg38[%swap3A], %gather3A {strides = array<i32>} : memref<8192xf32, #tpu.memory_space<vmem>>, vector<16xf32>,
        %swap3A_629 = arith.index_cast %multiple_of3A_627 : i32 to index
        %swap3A_630 = tpu.vector_load %arg39[%swap3A_629] {strides = array<i32>} : memref<8192xf32, #tpu.memory_space<vmem>>, vector<16xf32>,
        tpu.vector_store %arg39[%swap3A_629], %gather3A_624 {strides = array<i32>} : memref<8192xf32, #tpu.memory_space<vmem>>, vector<16xf32>,
        %gather3A_631 = tpu.vector_load_idx %arg20[%iota3A, %broadcast_in_dim3A_620] : memref<32x128xf32, #tpu.memory_space<vmem>>[vector<16xi32>, vector<16xi32>], vector<16xf32>,
        %add3A_632 = arith.constant 16 : i32
        %add3A_633 = vector.broadcast %add3A_632 : i32 to vector<16xi32>
        %add3A_634 = arith.addi %iota3A, %add3A_633 : vector<16xi32>
        %gather3A_635 = tpu.vector_load_idx %arg20[%add3A_634, %broadcast_in_dim3A_620] : memref<32x128xf32, #tpu.memory_space<vmem>>[vector<16xi32>, vector<16xi32>], vector<16xf32>,
        %gather3A_636 = tpu.vector_load_idx %arg21[%iota3A, %broadcast_in_dim3A_623] : memref<32x128xf32, #tpu.memory_space<vmem>>[vector<16xi32>, vector<16xi32>], vector<16xf32>,
        %add3A_637 = arith.constant 16 : i32
        %add3A_638 = vector.broadcast %add3A_637 : i32 to vector<16xi32>
        %add3A_639 = arith.addi %iota3A, %add3A_638 : vector<16xi32>
        %gather3A_640 = tpu.vector_load_idx %arg21[%add3A_639, %broadcast_in_dim3A_623] : memref<32x128xf32, #tpu.memory_space<vmem>>[vector<16xi32>, vector<16xi32>], vector<16xf32>,
        %mul3A_641 = arith.constant 32 : i32
        %mul3A_642 = arith.muli %scan3A_402, %mul3A_641 : i32
        %multiple_of3A_643 = tpu.assume_multiple %mul3A_642, 32 : i32
        %swap3A_644 = arith.index_cast %multiple_of3A_643 : i32 to index
        %swap3A_645 = tpu.vector_load %arg40[%swap3A_644] {strides = array<i32>} : memref<16384xf32, #tpu.memory_space<vmem>>, vector<16xf32>,
        tpu.vector_store %arg40[%swap3A_644], %gather3A_631 {strides = array<i32>} : memref<16384xf32, #tpu.memory_space<vmem>>, vector<16xf32>,
        %add3A_646 = arith.constant 16 : i32
        %add3A_647 = arith.addi %multiple_of3A_643, %add3A_646 : i32
        %swap3A_648 = arith.index_cast %add3A_647 : i32 to index
        %swap3A_649 = tpu.vector_load %arg40[%swap3A_648] {strides = array<i32>} : memref<16384xf32, #tpu.memory_space<vmem>>, vector<16xf32>,
        tpu.vector_store %arg40[%swap3A_648], %gather3A_635 {strides = array<i32>} : memref<16384xf32, #tpu.memory_space<vmem>>, vector<16xf32>,
        %swap3A_650 = arith.index_cast %multiple_of3A_643 : i32 to index
        %swap3A_651 = tpu.vector_load %arg41[%swap3A_650] {strides = array<i32>} : memref<16384xf32, #tpu.memory_space<vmem>>, vector<16xf32>,
        tpu.vector_store %arg41[%swap3A_650], %gather3A_636 {strides = array<i32>} : memref<16384xf32, #tpu.memory_space<vmem>>, vector<16xf32>,
        %add3A_652 = arith.constant 16 : i32
        %add3A_653 = arith.addi %multiple_of3A_643, %add3A_652 : i32
        %swap3A_654 = arith.index_cast %add3A_653 : i32 to index
        %swap3A_655 = tpu.vector_load %arg41[%swap3A_654] {strides = array<i32>} : memref<16384xf32, #tpu.memory_space<vmem>>, vector<16xf32>,
        tpu.vector_store %arg41[%swap3A_654], %gather3A_640 {strides = array<i32>} : memref<16384xf32, #tpu.memory_space<vmem>>, vector<16xf32>,
      } else {
      }
      %jit3A_484 = arith.constant 6 : i32
      %eq3A_485 = arith.constant 0 : i32
      %eq3A_486 = arith.cmpi eq, %jit3A_484, %eq3A_485 : i32
      %jit3A_487 = arith.constant 1 : i32
      %select_n3A_488 = arith.select %eq3A_486, %jit3A_487, %jit3A_484 : i32
      %rem3A_489 = arith.remsi %scan3A_402, %select_n3A_488 : i32
      %ne3A_490 = arith.constant 0 : i32
      %ne3A_491 = arith.cmpi ne, %rem3A_489, %ne3A_490 : i32
      %lt3A_492 = arith.constant 0 : i32
      %lt3A_493 = arith.cmpi slt, %rem3A_489, %lt3A_492 : i32
      %lt3A_494 = arith.constant 0 : i32
      %lt3A_495 = arith.cmpi slt, %select_n3A_488, %lt3A_494 : i32
      %ne3A_496 = arith.xori %lt3A_493, %lt3A_495 : i1
      %and3A_497 = arith.andi %ne3A_496, %ne3A_491 : i1
      %add3A_498 = arith.addi %rem3A_489, %select_n3A_488 : i32
      %select_n3A_499 = arith.select %and3A_497, %add3A_498, %rem3A_489 : i32
      %eq3A_500 = arith.constant 2 : i32
      %eq3A_501 = arith.cmpi eq, %select_n3A_499, %eq3A_500 : i32
      %convert_element_type3A_502 = arith.extui %eq3A_501 : i1 to i32
      %cond3A_503 = arith.constant 0 : i32
      %cond3A_504 = arith.cmpi ne, %convert_element_type3A_502, %cond3A_503 : i32
      scf.if %cond3A_504 {
        %shift_right_arithmetic3A_568 = arith.constant 7 : i32
        %shift_right_arithmetic3A_569 = arith.shrsi %reduce_max3A_438, %shift_right_arithmetic3A_568 : i32
        %mul3A_570 = arith.constant 128 : i32
        %mul3A_571 = arith.muli %shift_right_arithmetic3A_569, %mul3A_570 : i32
        %multiple_of3A_572 = tpu.assume_multiple %mul3A_571, 128 : i32
        %shift_right_arithmetic3A_573 = arith.constant 7 : i32
        %shift_right_arithmetic3A_574 = arith.shrsi %reduce_max3A_447, %shift_right_arithmetic3A_573 : i32
        %mul3A_575 = arith.constant 128 : i32
        %mul3A_576 = arith.muli %shift_right_arithmetic3A_574, %mul3A_575 : i32
        %multiple_of3A_577 = tpu.assume_multiple %mul3A_576, 128 : i32
        %dma_start3A_578 = arith.constant 0 : i32
        %dma_start3A_579 = tpu.memref_slice %arg4[%dma_start3A_578, %multiple_of3A_572] : memref<16x1000000xf32, #tpu.memory_space<hbm>> -> memref<16x128xf32, #tpu.memory_space<hbm>>
        %dma_start3A_580 = arith.constant 0 : i32
        %dma_start3A_581 = tpu.memref_slice %arg4[%dma_start3A_580, %multiple_of3A_572] : memref<16x1000000xf32, #tpu.memory_space<hbm>> -> memref<16x128xf32, #tpu.memory_space<hbm>>
        tpu.enqueue_dma source(%dma_start3A_581 : memref<16x128xf32, #tpu.memory_space<hbm>>) target(%arg18 : memref<16x128xf32, #tpu.memory_space<vmem>>) target_semaphore(%arg43 : memref<!tpu.dma_semaphore, #tpu.memory_space<semaphore_mem>>)
        %dma_start3A_582 = arith.constant 0 : i32
        %dma_start3A_583 = tpu.memref_slice %arg5[%dma_start3A_582, %multiple_of3A_577] : memref<16x1000000xf32, #tpu.memory_space<hbm>> -> memref<16x128xf32, #tpu.memory_space<hbm>>
        %dma_start3A_584 = arith.constant 0 : i32
        %dma_start3A_585 = tpu.memref_slice %arg5[%dma_start3A_584, %multiple_of3A_577] : memref<16x1000000xf32, #tpu.memory_space<hbm>> -> memref<16x128xf32, #tpu.memory_space<hbm>>
        tpu.enqueue_dma source(%dma_start3A_585 : memref<16x128xf32, #tpu.memory_space<hbm>>) target(%arg19 : memref<16x128xf32, #tpu.memory_space<vmem>>) target_semaphore(%arg43 : memref<!tpu.dma_semaphore, #tpu.memory_space<semaphore_mem>>)
        %dma_start3A_586 = arith.constant 0 : i32
        %dma_start3A_587 = tpu.memref_slice %arg6[%dma_start3A_586, %multiple_of3A_572] : memref<32x1000000xf32, #tpu.memory_space<hbm>> -> memref<32x128xf32, #tpu.memory_space<hbm>>
        %dma_start3A_588 = arith.constant 0 : i32
        %dma_start3A_589 = tpu.memref_slice %arg6[%dma_start3A_588, %multiple_of3A_572] : memref<32x1000000xf32, #tpu.memory_space<hbm>> -> memref<32x128xf32, #tpu.memory_space<hbm>>
        tpu.enqueue_dma source(%dma_start3A_589 : memref<32x128xf32, #tpu.memory_space<hbm>>) target(%arg20 : memref<32x128xf32, #tpu.memory_space<vmem>>) target_semaphore(%arg43 : memref<!tpu.dma_semaphore, #tpu.memory_space<semaphore_mem>>)
        %dma_start3A_590 = arith.constant 0 : i32
        %dma_start3A_591 = tpu.memref_slice %arg7[%dma_start3A_590, %multiple_of3A_577] : memref<32x1000000xf32, #tpu.memory_space<hbm>> -> memref<32x128xf32, #tpu.memory_space<hbm>>
        %dma_start3A_592 = arith.constant 0 : i32
        %dma_start3A_593 = tpu.memref_slice %arg7[%dma_start3A_592, %multiple_of3A_577] : memref<32x1000000xf32, #tpu.memory_space<hbm>> -> memref<32x128xf32, #tpu.memory_space<hbm>>
        tpu.enqueue_dma source(%dma_start3A_593 : memref<32x128xf32, #tpu.memory_space<hbm>>) target(%arg21 : memref<32x128xf32, #tpu.memory_space<vmem>>) target_semaphore(%arg43 : memref<!tpu.dma_semaphore, #tpu.memory_space<semaphore_mem>>)
        %dma_wait3A_594 = arith.constant 0 : i32
        %dma_wait3A_595 = arith.constant 0 : i32
        %dma_wait3A_596 = tpu.memref_slice %arg4[%dma_wait3A_594, %dma_wait3A_595] : memref<16x1000000xf32, #tpu.memory_space<hbm>> -> memref<16x128xf32, #tpu.memory_space<hbm>>
        %dma_wait3A_597 = arith.constant 0 : i32
        %dma_wait3A_598 = arith.constant 0 : i32
        %dma_wait3A_599 = tpu.memref_slice %arg4[%dma_wait3A_597, %dma_wait3A_598] : memref<16x1000000xf32, #tpu.memory_space<hbm>> -> memref<16x128xf32, #tpu.memory_space<hbm>>
        tpu.wait_dma2 semaphore(%arg44 : memref<!tpu.dma_semaphore, #tpu.memory_space<semaphore_mem>>) src(%dma_wait3A_599 : memref<16x128xf32, #tpu.memory_space<hbm>>) dst(%arg22 : memref<16x128xf32, #tpu.memory_space<vmem>>)
        %dma_wait3A_600 = arith.constant 0 : i32
        %dma_wait3A_601 = arith.constant 0 : i32
        %dma_wait3A_602 = tpu.memref_slice %arg5[%dma_wait3A_600, %dma_wait3A_601] : memref<16x1000000xf32, #tpu.memory_space<hbm>> -> memref<16x128xf32, #tpu.memory_space<hbm>>
        %dma_wait3A_603 = arith.constant 0 : i32
        %dma_wait3A_604 = arith.constant 0 : i32
        %dma_wait3A_605 = tpu.memref_slice %arg5[%dma_wait3A_603, %dma_wait3A_604] : memref<16x1000000xf32, #tpu.memory_space<hbm>> -> memref<16x128xf32, #tpu.memory_space<hbm>>
        tpu.wait_dma2 semaphore(%arg44 : memref<!tpu.dma_semaphore, #tpu.memory_space<semaphore_mem>>) src(%dma_wait3A_605 : memref<16x128xf32, #tpu.memory_space<hbm>>) dst(%arg23 : memref<16x128xf32, #tpu.memory_space<vmem>>)
        %dma_wait3A_606 = arith.constant 0 : i32
        %dma_wait3A_607 = arith.constant 0 : i32
        %dma_wait3A_608 = tpu.memref_slice %arg6[%dma_wait3A_606, %dma_wait3A_607] : memref<32x1000000xf32, #tpu.memory_space<hbm>> -> memref<32x128xf32, #tpu.memory_space<hbm>>
        %dma_wait3A_609 = arith.constant 0 : i32
        %dma_wait3A_610 = arith.constant 0 : i32
        %dma_wait3A_611 = tpu.memref_slice %arg6[%dma_wait3A_609, %dma_wait3A_610] : memref<32x1000000xf32, #tpu.memory_space<hbm>> -> memref<32x128xf32, #tpu.memory_space<hbm>>
        tpu.wait_dma2 semaphore(%arg44 : memref<!tpu.dma_semaphore, #tpu.memory_space<semaphore_mem>>) src(%dma_wait3A_611 : memref<32x128xf32, #tpu.memory_space<hbm>>) dst(%arg24 : memref<32x128xf32, #tpu.memory_space<vmem>>)
        %dma_wait3A_612 = arith.constant 0 : i32
        %dma_wait3A_613 = arith.constant 0 : i32
        %dma_wait3A_614 = tpu.memref_slice %arg7[%dma_wait3A_612, %dma_wait3A_613] : memref<32x1000000xf32, #tpu.memory_space<hbm>> -> memref<32x128xf32, #tpu.memory_space<hbm>>
        %dma_wait3A_615 = arith.constant 0 : i32
        %dma_wait3A_616 = arith.constant 0 : i32
        %dma_wait3A_617 = tpu.memref_slice %arg7[%dma_wait3A_615, %dma_wait3A_616] : memref<32x1000000xf32, #tpu.memory_space<hbm>> -> memref<32x128xf32, #tpu.memory_space<hbm>>
        tpu.wait_dma2 semaphore(%arg44 : memref<!tpu.dma_semaphore, #tpu.memory_space<semaphore_mem>>) src(%dma_wait3A_617 : memref<32x128xf32, #tpu.memory_space<hbm>>) dst(%arg25 : memref<32x128xf32, #tpu.memory_space<vmem>>)
        %and3A_618 = arith.constant 127 : i32
        %and3A_619 = arith.andi %scan3A_403, %and3A_618 : i32
        %broadcast_in_dim3A_620 = vector.broadcast %and3A_619 : i32 to vector<16xi32>
        %and3A_621 = arith.constant 127 : i32
        %and3A_622 = arith.andi %scan3A_404, %and3A_621 : i32
        %broadcast_in_dim3A_623 = vector.broadcast %and3A_622 : i32 to vector<16xi32>
        %gather3A = tpu.vector_load_idx %arg22[%iota3A, %broadcast_in_dim3A_620] : memref<16x128xf32, #tpu.memory_space<vmem>>[vector<16xi32>, vector<16xi32>], vector<16xf32>,
        %gather3A_624 = tpu.vector_load_idx %arg23[%iota3A, %broadcast_in_dim3A_623] : memref<16x128xf32, #tpu.memory_space<vmem>>[vector<16xi32>, vector<16xi32>], vector<16xf32>,
        %mul3A_625 = arith.constant 16 : i32
        %mul3A_626 = arith.muli %scan3A_402, %mul3A_625 : i32
        %multiple_of3A_627 = tpu.assume_multiple %mul3A_626, 16 : i32
        %swap3A = arith.index_cast %multiple_of3A_627 : i32 to index
        %swap3A_628 = tpu.vector_load %arg38[%swap3A] {strides = array<i32>} : memref<8192xf32, #tpu.memory_space<vmem>>, vector<16xf32>,
        tpu.vector_store %arg38[%swap3A], %gather3A {strides = array<i32>} : memref<8192xf32, #tpu.memory_space<vmem>>, vector<16xf32>,
        %swap3A_629 = arith.index_cast %multiple_of3A_627 : i32 to index
        %swap3A_630 = tpu.vector_load %arg39[%swap3A_629] {strides = array<i32>} : memref<8192xf32, #tpu.memory_space<vmem>>, vector<16xf32>,
        tpu.vector_store %arg39[%swap3A_629], %gather3A_624 {strides = array<i32>} : memref<8192xf32, #tpu.memory_space<vmem>>, vector<16xf32>,
        %gather3A_631 = tpu.vector_load_idx %arg24[%iota3A, %broadcast_in_dim3A_620] : memref<32x128xf32, #tpu.memory_space<vmem>>[vector<16xi32>, vector<16xi32>], vector<16xf32>,
        %add3A_632 = arith.constant 16 : i32
        %add3A_633 = vector.broadcast %add3A_632 : i32 to vector<16xi32>
        %add3A_634 = arith.addi %iota3A, %add3A_633 : vector<16xi32>
        %gather3A_635 = tpu.vector_load_idx %arg24[%add3A_634, %broadcast_in_dim3A_620] : memref<32x128xf32, #tpu.memory_space<vmem>>[vector<16xi32>, vector<16xi32>], vector<16xf32>,
        %gather3A_636 = tpu.vector_load_idx %arg25[%iota3A, %broadcast_in_dim3A_623] : memref<32x128xf32, #tpu.memory_space<vmem>>[vector<16xi32>, vector<16xi32>], vector<16xf32>,
        %add3A_637 = arith.constant 16 : i32
        %add3A_638 = vector.broadcast %add3A_637 : i32 to vector<16xi32>
        %add3A_639 = arith.addi %iota3A, %add3A_638 : vector<16xi32>
        %gather3A_640 = tpu.vector_load_idx %arg25[%add3A_639, %broadcast_in_dim3A_623] : memref<32x128xf32, #tpu.memory_space<vmem>>[vector<16xi32>, vector<16xi32>], vector<16xf32>,
        %mul3A_641 = arith.constant 32 : i32
        %mul3A_642 = arith.muli %scan3A_402, %mul3A_641 : i32
        %multiple_of3A_643 = tpu.assume_multiple %mul3A_642, 32 : i32
        %swap3A_644 = arith.index_cast %multiple_of3A_643 : i32 to index
        %swap3A_645 = tpu.vector_load %arg40[%swap3A_644] {strides = array<i32>} : memref<16384xf32, #tpu.memory_space<vmem>>, vector<16xf32>,
        tpu.vector_store %arg40[%swap3A_644], %gather3A_631 {strides = array<i32>} : memref<16384xf32, #tpu.memory_space<vmem>>, vector<16xf32>,
        %add3A_646 = arith.constant 16 : i32
        %add3A_647 = arith.addi %multiple_of3A_643, %add3A_646 : i32
        %swap3A_648 = arith.index_cast %add3A_647 : i32 to index
        %swap3A_649 = tpu.vector_load %arg40[%swap3A_648] {strides = array<i32>} : memref<16384xf32, #tpu.memory_space<vmem>>, vector<16xf32>,
        tpu.vector_store %arg40[%swap3A_648], %gather3A_635 {strides = array<i32>} : memref<16384xf32, #tpu.memory_space<vmem>>, vector<16xf32>,
        %swap3A_650 = arith.index_cast %multiple_of3A_643 : i32 to index
        %swap3A_651 = tpu.vector_load %arg41[%swap3A_650] {strides = array<i32>} : memref<16384xf32, #tpu.memory_space<vmem>>, vector<16xf32>,
        tpu.vector_store %arg41[%swap3A_650], %gather3A_636 {strides = array<i32>} : memref<16384xf32, #tpu.memory_space<vmem>>, vector<16xf32>,
        %add3A_652 = arith.constant 16 : i32
        %add3A_653 = arith.addi %multiple_of3A_643, %add3A_652 : i32
        %swap3A_654 = arith.index_cast %add3A_653 : i32 to index
        %swap3A_655 = tpu.vector_load %arg41[%swap3A_654] {strides = array<i32>} : memref<16384xf32, #tpu.memory_space<vmem>>, vector<16xf32>,
        tpu.vector_store %arg41[%swap3A_654], %gather3A_640 {strides = array<i32>} : memref<16384xf32, #tpu.memory_space<vmem>>, vector<16xf32>,
      } else {
      }
      %jit3A_505 = arith.constant 6 : i32
      %eq3A_506 = arith.constant 0 : i32
      %eq3A_507 = arith.cmpi eq, %jit3A_505, %eq3A_506 : i32
      %jit3A_508 = arith.constant 1 : i32
      %select_n3A_509 = arith.select %eq3A_507, %jit3A_508, %jit3A_505 : i32
      %rem3A_510 = arith.remsi %scan3A_402, %select_n3A_509 : i32
      %ne3A_511 = arith.constant 0 : i32
      %ne3A_512 = arith.cmpi ne, %rem3A_510, %ne3A_511 : i32
      %lt3A_513 = arith.constant 0 : i32
      %lt3A_514 = arith.cmpi slt, %rem3A_510, %lt3A_513 : i32
      %lt3A_515 = arith.constant 0 : i32
      %lt3A_516 = arith.cmpi slt, %select_n3A_509, %lt3A_515 : i32
      %ne3A_517 = arith.xori %lt3A_514, %lt3A_516 : i1
      %and3A_518 = arith.andi %ne3A_517, %ne3A_512 : i1
      %add3A_519 = arith.addi %rem3A_510, %select_n3A_509 : i32
      %select_n3A_520 = arith.select %and3A_518, %add3A_519, %rem3A_510 : i32
      %eq3A_521 = arith.constant 3 : i32
      %eq3A_522 = arith.cmpi eq, %select_n3A_520, %eq3A_521 : i32
      %convert_element_type3A_523 = arith.extui %eq3A_522 : i1 to i32
      %cond3A_524 = arith.constant 0 : i32
      %cond3A_525 = arith.cmpi ne, %convert_element_type3A_523, %cond3A_524 : i32
      scf.if %cond3A_525 {
        %shift_right_arithmetic3A_568 = arith.constant 7 : i32
        %shift_right_arithmetic3A_569 = arith.shrsi %reduce_max3A_438, %shift_right_arithmetic3A_568 : i32
        %mul3A_570 = arith.constant 128 : i32
        %mul3A_571 = arith.muli %shift_right_arithmetic3A_569, %mul3A_570 : i32
        %multiple_of3A_572 = tpu.assume_multiple %mul3A_571, 128 : i32
        %shift_right_arithmetic3A_573 = arith.constant 7 : i32
        %shift_right_arithmetic3A_574 = arith.shrsi %reduce_max3A_447, %shift_right_arithmetic3A_573 : i32
        %mul3A_575 = arith.constant 128 : i32
        %mul3A_576 = arith.muli %shift_right_arithmetic3A_574, %mul3A_575 : i32
        %multiple_of3A_577 = tpu.assume_multiple %mul3A_576, 128 : i32
        %dma_start3A_578 = arith.constant 0 : i32
        %dma_start3A_579 = tpu.memref_slice %arg4[%dma_start3A_578, %multiple_of3A_572] : memref<16x1000000xf32, #tpu.memory_space<hbm>> -> memref<16x128xf32, #tpu.memory_space<hbm>>
        %dma_start3A_580 = arith.constant 0 : i32
        %dma_start3A_581 = tpu.memref_slice %arg4[%dma_start3A_580, %multiple_of3A_572] : memref<16x1000000xf32, #tpu.memory_space<hbm>> -> memref<16x128xf32, #tpu.memory_space<hbm>>
        tpu.enqueue_dma source(%dma_start3A_581 : memref<16x128xf32, #tpu.memory_space<hbm>>) target(%arg22 : memref<16x128xf32, #tpu.memory_space<vmem>>) target_semaphore(%arg44 : memref<!tpu.dma_semaphore, #tpu.memory_space<semaphore_mem>>)
        %dma_start3A_582 = arith.constant 0 : i32
        %dma_start3A_583 = tpu.memref_slice %arg5[%dma_start3A_582, %multiple_of3A_577] : memref<16x1000000xf32, #tpu.memory_space<hbm>> -> memref<16x128xf32, #tpu.memory_space<hbm>>
        %dma_start3A_584 = arith.constant 0 : i32
        %dma_start3A_585 = tpu.memref_slice %arg5[%dma_start3A_584, %multiple_of3A_577] : memref<16x1000000xf32, #tpu.memory_space<hbm>> -> memref<16x128xf32, #tpu.memory_space<hbm>>
        tpu.enqueue_dma source(%dma_start3A_585 : memref<16x128xf32, #tpu.memory_space<hbm>>) target(%arg23 : memref<16x128xf32, #tpu.memory_space<vmem>>) target_semaphore(%arg44 : memref<!tpu.dma_semaphore, #tpu.memory_space<semaphore_mem>>)
        %dma_start3A_586 = arith.constant 0 : i32
        %dma_start3A_587 = tpu.memref_slice %arg6[%dma_start3A_586, %multiple_of3A_572] : memref<32x1000000xf32, #tpu.memory_space<hbm>> -> memref<32x128xf32, #tpu.memory_space<hbm>>
        %dma_start3A_588 = arith.constant 0 : i32
        %dma_start3A_589 = tpu.memref_slice %arg6[%dma_start3A_588, %multiple_of3A_572] : memref<32x1000000xf32, #tpu.memory_space<hbm>> -> memref<32x128xf32, #tpu.memory_space<hbm>>
        tpu.enqueue_dma source(%dma_start3A_589 : memref<32x128xf32, #tpu.memory_space<hbm>>) target(%arg24 : memref<32x128xf32, #tpu.memory_space<vmem>>) target_semaphore(%arg44 : memref<!tpu.dma_semaphore, #tpu.memory_space<semaphore_mem>>)
        %dma_start3A_590 = arith.constant 0 : i32
        %dma_start3A_591 = tpu.memref_slice %arg7[%dma_start3A_590, %multiple_of3A_577] : memref<32x1000000xf32, #tpu.memory_space<hbm>> -> memref<32x128xf32, #tpu.memory_space<hbm>>
        %dma_start3A_592 = arith.constant 0 : i32
        %dma_start3A_593 = tpu.memref_slice %arg7[%dma_start3A_592, %multiple_of3A_577] : memref<32x1000000xf32, #tpu.memory_space<hbm>> -> memref<32x128xf32, #tpu.memory_space<hbm>>
        tpu.enqueue_dma source(%dma_start3A_593 : memref<32x128xf32, #tpu.memory_space<hbm>>) target(%arg25 : memref<32x128xf32, #tpu.memory_space<vmem>>) target_semaphore(%arg44 : memref<!tpu.dma_semaphore, #tpu.memory_space<semaphore_mem>>)
        %dma_wait3A_594 = arith.constant 0 : i32
        %dma_wait3A_595 = arith.constant 0 : i32
        %dma_wait3A_596 = tpu.memref_slice %arg4[%dma_wait3A_594, %dma_wait3A_595] : memref<16x1000000xf32, #tpu.memory_space<hbm>> -> memref<16x128xf32, #tpu.memory_space<hbm>>
        %dma_wait3A_597 = arith.constant 0 : i32
        %dma_wait3A_598 = arith.constant 0 : i32
        %dma_wait3A_599 = tpu.memref_slice %arg4[%dma_wait3A_597, %dma_wait3A_598] : memref<16x1000000xf32, #tpu.memory_space<hbm>> -> memref<16x128xf32, #tpu.memory_space<hbm>>
        tpu.wait_dma2 semaphore(%arg45 : memref<!tpu.dma_semaphore, #tpu.memory_space<semaphore_mem>>) src(%dma_wait3A_599 : memref<16x128xf32, #tpu.memory_space<hbm>>) dst(%arg26 : memref<16x128xf32, #tpu.memory_space<vmem>>)
        %dma_wait3A_600 = arith.constant 0 : i32
        %dma_wait3A_601 = arith.constant 0 : i32
        %dma_wait3A_602 = tpu.memref_slice %arg5[%dma_wait3A_600, %dma_wait3A_601] : memref<16x1000000xf32, #tpu.memory_space<hbm>> -> memref<16x128xf32, #tpu.memory_space<hbm>>
        %dma_wait3A_603 = arith.constant 0 : i32
        %dma_wait3A_604 = arith.constant 0 : i32
        %dma_wait3A_605 = tpu.memref_slice %arg5[%dma_wait3A_603, %dma_wait3A_604] : memref<16x1000000xf32, #tpu.memory_space<hbm>> -> memref<16x128xf32, #tpu.memory_space<hbm>>
        tpu.wait_dma2 semaphore(%arg45 : memref<!tpu.dma_semaphore, #tpu.memory_space<semaphore_mem>>) src(%dma_wait3A_605 : memref<16x128xf32, #tpu.memory_space<hbm>>) dst(%arg27 : memref<16x128xf32, #tpu.memory_space<vmem>>)
        %dma_wait3A_606 = arith.constant 0 : i32
        %dma_wait3A_607 = arith.constant 0 : i32
        %dma_wait3A_608 = tpu.memref_slice %arg6[%dma_wait3A_606, %dma_wait3A_607] : memref<32x1000000xf32, #tpu.memory_space<hbm>> -> memref<32x128xf32, #tpu.memory_space<hbm>>
        %dma_wait3A_609 = arith.constant 0 : i32
        %dma_wait3A_610 = arith.constant 0 : i32
        %dma_wait3A_611 = tpu.memref_slice %arg6[%dma_wait3A_609, %dma_wait3A_610] : memref<32x1000000xf32, #tpu.memory_space<hbm>> -> memref<32x128xf32, #tpu.memory_space<hbm>>
        tpu.wait_dma2 semaphore(%arg45 : memref<!tpu.dma_semaphore, #tpu.memory_space<semaphore_mem>>) src(%dma_wait3A_611 : memref<32x128xf32, #tpu.memory_space<hbm>>) dst(%arg28 : memref<32x128xf32, #tpu.memory_space<vmem>>)
        %dma_wait3A_612 = arith.constant 0 : i32
        %dma_wait3A_613 = arith.constant 0 : i32
        %dma_wait3A_614 = tpu.memref_slice %arg7[%dma_wait3A_612, %dma_wait3A_613] : memref<32x1000000xf32, #tpu.memory_space<hbm>> -> memref<32x128xf32, #tpu.memory_space<hbm>>
        %dma_wait3A_615 = arith.constant 0 : i32
        %dma_wait3A_616 = arith.constant 0 : i32
        %dma_wait3A_617 = tpu.memref_slice %arg7[%dma_wait3A_615, %dma_wait3A_616] : memref<32x1000000xf32, #tpu.memory_space<hbm>> -> memref<32x128xf32, #tpu.memory_space<hbm>>
        tpu.wait_dma2 semaphore(%arg45 : memref<!tpu.dma_semaphore, #tpu.memory_space<semaphore_mem>>) src(%dma_wait3A_617 : memref<32x128xf32, #tpu.memory_space<hbm>>) dst(%arg29 : memref<32x128xf32, #tpu.memory_space<vmem>>)
        %and3A_618 = arith.constant 127 : i32
        %and3A_619 = arith.andi %scan3A_403, %and3A_618 : i32
        %broadcast_in_dim3A_620 = vector.broadcast %and3A_619 : i32 to vector<16xi32>
        %and3A_621 = arith.constant 127 : i32
        %and3A_622 = arith.andi %scan3A_404, %and3A_621 : i32
        %broadcast_in_dim3A_623 = vector.broadcast %and3A_622 : i32 to vector<16xi32>
        %gather3A = tpu.vector_load_idx %arg26[%iota3A, %broadcast_in_dim3A_620] : memref<16x128xf32, #tpu.memory_space<vmem>>[vector<16xi32>, vector<16xi32>], vector<16xf32>,
        %gather3A_624 = tpu.vector_load_idx %arg27[%iota3A, %broadcast_in_dim3A_623] : memref<16x128xf32, #tpu.memory_space<vmem>>[vector<16xi32>, vector<16xi32>], vector<16xf32>,
        %mul3A_625 = arith.constant 16 : i32
        %mul3A_626 = arith.muli %scan3A_402, %mul3A_625 : i32
        %multiple_of3A_627 = tpu.assume_multiple %mul3A_626, 16 : i32
        %swap3A = arith.index_cast %multiple_of3A_627 : i32 to index
        %swap3A_628 = tpu.vector_load %arg38[%swap3A] {strides = array<i32>} : memref<8192xf32, #tpu.memory_space<vmem>>, vector<16xf32>,
        tpu.vector_store %arg38[%swap3A], %gather3A {strides = array<i32>} : memref<8192xf32, #tpu.memory_space<vmem>>, vector<16xf32>,
        %swap3A_629 = arith.index_cast %multiple_of3A_627 : i32 to index
        %swap3A_630 = tpu.vector_load %arg39[%swap3A_629] {strides = array<i32>} : memref<8192xf32, #tpu.memory_space<vmem>>, vector<16xf32>,
        tpu.vector_store %arg39[%swap3A_629], %gather3A_624 {strides = array<i32>} : memref<8192xf32, #tpu.memory_space<vmem>>, vector<16xf32>,
        %gather3A_631 = tpu.vector_load_idx %arg28[%iota3A, %broadcast_in_dim3A_620] : memref<32x128xf32, #tpu.memory_space<vmem>>[vector<16xi32>, vector<16xi32>], vector<16xf32>,
        %add3A_632 = arith.constant 16 : i32
        %add3A_633 = vector.broadcast %add3A_632 : i32 to vector<16xi32>
        %add3A_634 = arith.addi %iota3A, %add3A_633 : vector<16xi32>
        %gather3A_635 = tpu.vector_load_idx %arg28[%add3A_634, %broadcast_in_dim3A_620] : memref<32x128xf32, #tpu.memory_space<vmem>>[vector<16xi32>, vector<16xi32>], vector<16xf32>,
        %gather3A_636 = tpu.vector_load_idx %arg29[%iota3A, %broadcast_in_dim3A_623] : memref<32x128xf32, #tpu.memory_space<vmem>>[vector<16xi32>, vector<16xi32>], vector<16xf32>,
        %add3A_637 = arith.constant 16 : i32
        %add3A_638 = vector.broadcast %add3A_637 : i32 to vector<16xi32>
        %add3A_639 = arith.addi %iota3A, %add3A_638 : vector<16xi32>
        %gather3A_640 = tpu.vector_load_idx %arg29[%add3A_639, %broadcast_in_dim3A_623] : memref<32x128xf32, #tpu.memory_space<vmem>>[vector<16xi32>, vector<16xi32>], vector<16xf32>,
        %mul3A_641 = arith.constant 32 : i32
        %mul3A_642 = arith.muli %scan3A_402, %mul3A_641 : i32
        %multiple_of3A_643 = tpu.assume_multiple %mul3A_642, 32 : i32
        %swap3A_644 = arith.index_cast %multiple_of3A_643 : i32 to index
        %swap3A_645 = tpu.vector_load %arg40[%swap3A_644] {strides = array<i32>} : memref<16384xf32, #tpu.memory_space<vmem>>, vector<16xf32>,
        tpu.vector_store %arg40[%swap3A_644], %gather3A_631 {strides = array<i32>} : memref<16384xf32, #tpu.memory_space<vmem>>, vector<16xf32>,
        %add3A_646 = arith.constant 16 : i32
        %add3A_647 = arith.addi %multiple_of3A_643, %add3A_646 : i32
        %swap3A_648 = arith.index_cast %add3A_647 : i32 to index
        %swap3A_649 = tpu.vector_load %arg40[%swap3A_648] {strides = array<i32>} : memref<16384xf32, #tpu.memory_space<vmem>>, vector<16xf32>,
        tpu.vector_store %arg40[%swap3A_648], %gather3A_635 {strides = array<i32>} : memref<16384xf32, #tpu.memory_space<vmem>>, vector<16xf32>,
        %swap3A_650 = arith.index_cast %multiple_of3A_643 : i32 to index
        %swap3A_651 = tpu.vector_load %arg41[%swap3A_650] {strides = array<i32>} : memref<16384xf32, #tpu.memory_space<vmem>>, vector<16xf32>,
        tpu.vector_store %arg41[%swap3A_650], %gather3A_636 {strides = array<i32>} : memref<16384xf32, #tpu.memory_space<vmem>>, vector<16xf32>,
        %add3A_652 = arith.constant 16 : i32
        %add3A_653 = arith.addi %multiple_of3A_643, %add3A_652 : i32
        %swap3A_654 = arith.index_cast %add3A_653 : i32 to index
        %swap3A_655 = tpu.vector_load %arg41[%swap3A_654] {strides = array<i32>} : memref<16384xf32, #tpu.memory_space<vmem>>, vector<16xf32>,
        tpu.vector_store %arg41[%swap3A_654], %gather3A_640 {strides = array<i32>} : memref<16384xf32, #tpu.memory_space<vmem>>, vector<16xf32>,
      } else {
      }
      %jit3A_526 = arith.constant 6 : i32
      %eq3A_527 = arith.constant 0 : i32
      %eq3A_528 = arith.cmpi eq, %jit3A_526, %eq3A_527 : i32
      %jit3A_529 = arith.constant 1 : i32
      %select_n3A_530 = arith.select %eq3A_528, %jit3A_529, %jit3A_526 : i32
      %rem3A_531 = arith.remsi %scan3A_402, %select_n3A_530 : i32
      %ne3A_532 = arith.constant 0 : i32
      %ne3A_533 = arith.cmpi ne, %rem3A_531, %ne3A_532 : i32
      %lt3A_534 = arith.constant 0 : i32
      %lt3A_535 = arith.cmpi slt, %rem3A_531, %lt3A_534 : i32
      %lt3A_536 = arith.constant 0 : i32
      %lt3A_537 = arith.cmpi slt, %select_n3A_530, %lt3A_536 : i32
      %ne3A_538 = arith.xori %lt3A_535, %lt3A_537 : i1
      %and3A_539 = arith.andi %ne3A_538, %ne3A_533 : i1
      %add3A_540 = arith.addi %rem3A_531, %select_n3A_530 : i32
      %select_n3A_541 = arith.select %and3A_539, %add3A_540, %rem3A_531 : i32
      %eq3A_542 = arith.constant 4 : i32
      %eq3A_543 = arith.cmpi eq, %select_n3A_541, %eq3A_542 : i32
      %convert_element_type3A_544 = arith.extui %eq3A_543 : i1 to i32
      %cond3A_545 = arith.constant 0 : i32
      %cond3A_546 = arith.cmpi ne, %convert_element_type3A_544, %cond3A_545 : i32
      scf.if %cond3A_546 {
        %shift_right_arithmetic3A_568 = arith.constant 7 : i32
        %shift_right_arithmetic3A_569 = arith.shrsi %reduce_max3A_438, %shift_right_arithmetic3A_568 : i32
        %mul3A_570 = arith.constant 128 : i32
        %mul3A_571 = arith.muli %shift_right_arithmetic3A_569, %mul3A_570 : i32
        %multiple_of3A_572 = tpu.assume_multiple %mul3A_571, 128 : i32
        %shift_right_arithmetic3A_573 = arith.constant 7 : i32
        %shift_right_arithmetic3A_574 = arith.shrsi %reduce_max3A_447, %shift_right_arithmetic3A_573 : i32
        %mul3A_575 = arith.constant 128 : i32
        %mul3A_576 = arith.muli %shift_right_arithmetic3A_574, %mul3A_575 : i32
        %multiple_of3A_577 = tpu.assume_multiple %mul3A_576, 128 : i32
        %dma_start3A_578 = arith.constant 0 : i32
        %dma_start3A_579 = tpu.memref_slice %arg4[%dma_start3A_578, %multiple_of3A_572] : memref<16x1000000xf32, #tpu.memory_space<hbm>> -> memref<16x128xf32, #tpu.memory_space<hbm>>
        %dma_start3A_580 = arith.constant 0 : i32
        %dma_start3A_581 = tpu.memref_slice %arg4[%dma_start3A_580, %multiple_of3A_572] : memref<16x1000000xf32, #tpu.memory_space<hbm>> -> memref<16x128xf32, #tpu.memory_space<hbm>>
        tpu.enqueue_dma source(%dma_start3A_581 : memref<16x128xf32, #tpu.memory_space<hbm>>) target(%arg26 : memref<16x128xf32, #tpu.memory_space<vmem>>) target_semaphore(%arg45 : memref<!tpu.dma_semaphore, #tpu.memory_space<semaphore_mem>>)
        %dma_start3A_582 = arith.constant 0 : i32
        %dma_start3A_583 = tpu.memref_slice %arg5[%dma_start3A_582, %multiple_of3A_577] : memref<16x1000000xf32, #tpu.memory_space<hbm>> -> memref<16x128xf32, #tpu.memory_space<hbm>>
        %dma_start3A_584 = arith.constant 0 : i32
        %dma_start3A_585 = tpu.memref_slice %arg5[%dma_start3A_584, %multiple_of3A_577] : memref<16x1000000xf32, #tpu.memory_space<hbm>> -> memref<16x128xf32, #tpu.memory_space<hbm>>
        tpu.enqueue_dma source(%dma_start3A_585 : memref<16x128xf32, #tpu.memory_space<hbm>>) target(%arg27 : memref<16x128xf32, #tpu.memory_space<vmem>>) target_semaphore(%arg45 : memref<!tpu.dma_semaphore, #tpu.memory_space<semaphore_mem>>)
        %dma_start3A_586 = arith.constant 0 : i32
        %dma_start3A_587 = tpu.memref_slice %arg6[%dma_start3A_586, %multiple_of3A_572] : memref<32x1000000xf32, #tpu.memory_space<hbm>> -> memref<32x128xf32, #tpu.memory_space<hbm>>
        %dma_start3A_588 = arith.constant 0 : i32
        %dma_start3A_589 = tpu.memref_slice %arg6[%dma_start3A_588, %multiple_of3A_572] : memref<32x1000000xf32, #tpu.memory_space<hbm>> -> memref<32x128xf32, #tpu.memory_space<hbm>>
        tpu.enqueue_dma source(%dma_start3A_589 : memref<32x128xf32, #tpu.memory_space<hbm>>) target(%arg28 : memref<32x128xf32, #tpu.memory_space<vmem>>) target_semaphore(%arg45 : memref<!tpu.dma_semaphore, #tpu.memory_space<semaphore_mem>>)
        %dma_start3A_590 = arith.constant 0 : i32
        %dma_start3A_591 = tpu.memref_slice %arg7[%dma_start3A_590, %multiple_of3A_577] : memref<32x1000000xf32, #tpu.memory_space<hbm>> -> memref<32x128xf32, #tpu.memory_space<hbm>>
        %dma_start3A_592 = arith.constant 0 : i32
        %dma_start3A_593 = tpu.memref_slice %arg7[%dma_start3A_592, %multiple_of3A_577] : memref<32x1000000xf32, #tpu.memory_space<hbm>> -> memref<32x128xf32, #tpu.memory_space<hbm>>
        tpu.enqueue_dma source(%dma_start3A_593 : memref<32x128xf32, #tpu.memory_space<hbm>>) target(%arg29 : memref<32x128xf32, #tpu.memory_space<vmem>>) target_semaphore(%arg45 : memref<!tpu.dma_semaphore, #tpu.memory_space<semaphore_mem>>)
        %dma_wait3A_594 = arith.constant 0 : i32
        %dma_wait3A_595 = arith.constant 0 : i32
        %dma_wait3A_596 = tpu.memref_slice %arg4[%dma_wait3A_594, %dma_wait3A_595] : memref<16x1000000xf32, #tpu.memory_space<hbm>> -> memref<16x128xf32, #tpu.memory_space<hbm>>
        %dma_wait3A_597 = arith.constant 0 : i32
        %dma_wait3A_598 = arith.constant 0 : i32
        %dma_wait3A_599 = tpu.memref_slice %arg4[%dma_wait3A_597, %dma_wait3A_598] : memref<16x1000000xf32, #tpu.memory_space<hbm>> -> memref<16x128xf32, #tpu.memory_space<hbm>>
        tpu.wait_dma2 semaphore(%arg46 : memref<!tpu.dma_semaphore, #tpu.memory_space<semaphore_mem>>) src(%dma_wait3A_599 : memref<16x128xf32, #tpu.memory_space<hbm>>) dst(%arg30 : memref<16x128xf32, #tpu.memory_space<vmem>>)
        %dma_wait3A_600 = arith.constant 0 : i32
        %dma_wait3A_601 = arith.constant 0 : i32
        %dma_wait3A_602 = tpu.memref_slice %arg5[%dma_wait3A_600, %dma_wait3A_601] : memref<16x1000000xf32, #tpu.memory_space<hbm>> -> memref<16x128xf32, #tpu.memory_space<hbm>>
        %dma_wait3A_603 = arith.constant 0 : i32
        %dma_wait3A_604 = arith.constant 0 : i32
        %dma_wait3A_605 = tpu.memref_slice %arg5[%dma_wait3A_603, %dma_wait3A_604] : memref<16x1000000xf32, #tpu.memory_space<hbm>> -> memref<16x128xf32, #tpu.memory_space<hbm>>
        tpu.wait_dma2 semaphore(%arg46 : memref<!tpu.dma_semaphore, #tpu.memory_space<semaphore_mem>>) src(%dma_wait3A_605 : memref<16x128xf32, #tpu.memory_space<hbm>>) dst(%arg31 : memref<16x128xf32, #tpu.memory_space<vmem>>)
        %dma_wait3A_606 = arith.constant 0 : i32
        %dma_wait3A_607 = arith.constant 0 : i32
        %dma_wait3A_608 = tpu.memref_slice %arg6[%dma_wait3A_606, %dma_wait3A_607] : memref<32x1000000xf32, #tpu.memory_space<hbm>> -> memref<32x128xf32, #tpu.memory_space<hbm>>
        %dma_wait3A_609 = arith.constant 0 : i32
        %dma_wait3A_610 = arith.constant 0 : i32
        %dma_wait3A_611 = tpu.memref_slice %arg6[%dma_wait3A_609, %dma_wait3A_610] : memref<32x1000000xf32, #tpu.memory_space<hbm>> -> memref<32x128xf32, #tpu.memory_space<hbm>>
        tpu.wait_dma2 semaphore(%arg46 : memref<!tpu.dma_semaphore, #tpu.memory_space<semaphore_mem>>) src(%dma_wait3A_611 : memref<32x128xf32, #tpu.memory_space<hbm>>) dst(%arg32 : memref<32x128xf32, #tpu.memory_space<vmem>>)
        %dma_wait3A_612 = arith.constant 0 : i32
        %dma_wait3A_613 = arith.constant 0 : i32
        %dma_wait3A_614 = tpu.memref_slice %arg7[%dma_wait3A_612, %dma_wait3A_613] : memref<32x1000000xf32, #tpu.memory_space<hbm>> -> memref<32x128xf32, #tpu.memory_space<hbm>>
        %dma_wait3A_615 = arith.constant 0 : i32
        %dma_wait3A_616 = arith.constant 0 : i32
        %dma_wait3A_617 = tpu.memref_slice %arg7[%dma_wait3A_615, %dma_wait3A_616] : memref<32x1000000xf32, #tpu.memory_space<hbm>> -> memref<32x128xf32, #tpu.memory_space<hbm>>
        tpu.wait_dma2 semaphore(%arg46 : memref<!tpu.dma_semaphore, #tpu.memory_space<semaphore_mem>>) src(%dma_wait3A_617 : memref<32x128xf32, #tpu.memory_space<hbm>>) dst(%arg33 : memref<32x128xf32, #tpu.memory_space<vmem>>)
        %and3A_618 = arith.constant 127 : i32
        %and3A_619 = arith.andi %scan3A_403, %and3A_618 : i32
        %broadcast_in_dim3A_620 = vector.broadcast %and3A_619 : i32 to vector<16xi32>
        %and3A_621 = arith.constant 127 : i32
        %and3A_622 = arith.andi %scan3A_404, %and3A_621 : i32
        %broadcast_in_dim3A_623 = vector.broadcast %and3A_622 : i32 to vector<16xi32>
        %gather3A = tpu.vector_load_idx %arg30[%iota3A, %broadcast_in_dim3A_620] : memref<16x128xf32, #tpu.memory_space<vmem>>[vector<16xi32>, vector<16xi32>], vector<16xf32>,
        %gather3A_624 = tpu.vector_load_idx %arg31[%iota3A, %broadcast_in_dim3A_623] : memref<16x128xf32, #tpu.memory_space<vmem>>[vector<16xi32>, vector<16xi32>], vector<16xf32>,
        %mul3A_625 = arith.constant 16 : i32
        %mul3A_626 = arith.muli %scan3A_402, %mul3A_625 : i32
        %multiple_of3A_627 = tpu.assume_multiple %mul3A_626, 16 : i32
        %swap3A = arith.index_cast %multiple_of3A_627 : i32 to index
        %swap3A_628 = tpu.vector_load %arg38[%swap3A] {strides = array<i32>} : memref<8192xf32, #tpu.memory_space<vmem>>, vector<16xf32>,
        tpu.vector_store %arg38[%swap3A], %gather3A {strides = array<i32>} : memref<8192xf32, #tpu.memory_space<vmem>>, vector<16xf32>,
        %swap3A_629 = arith.index_cast %multiple_of3A_627 : i32 to index
        %swap3A_630 = tpu.vector_load %arg39[%swap3A_629] {strides = array<i32>} : memref<8192xf32, #tpu.memory_space<vmem>>, vector<16xf32>,
        tpu.vector_store %arg39[%swap3A_629], %gather3A_624 {strides = array<i32>} : memref<8192xf32, #tpu.memory_space<vmem>>, vector<16xf32>,
        %gather3A_631 = tpu.vector_load_idx %arg32[%iota3A, %broadcast_in_dim3A_620] : memref<32x128xf32, #tpu.memory_space<vmem>>[vector<16xi32>, vector<16xi32>], vector<16xf32>,
        %add3A_632 = arith.constant 16 : i32
        %add3A_633 = vector.broadcast %add3A_632 : i32 to vector<16xi32>
        %add3A_634 = arith.addi %iota3A, %add3A_633 : vector<16xi32>
        %gather3A_635 = tpu.vector_load_idx %arg32[%add3A_634, %broadcast_in_dim3A_620] : memref<32x128xf32, #tpu.memory_space<vmem>>[vector<16xi32>, vector<16xi32>], vector<16xf32>,
        %gather3A_636 = tpu.vector_load_idx %arg33[%iota3A, %broadcast_in_dim3A_623] : memref<32x128xf32, #tpu.memory_space<vmem>>[vector<16xi32>, vector<16xi32>], vector<16xf32>,
        %add3A_637 = arith.constant 16 : i32
        %add3A_638 = vector.broadcast %add3A_637 : i32 to vector<16xi32>
        %add3A_639 = arith.addi %iota3A, %add3A_638 : vector<16xi32>
        %gather3A_640 = tpu.vector_load_idx %arg33[%add3A_639, %broadcast_in_dim3A_623] : memref<32x128xf32, #tpu.memory_space<vmem>>[vector<16xi32>, vector<16xi32>], vector<16xf32>,
        %mul3A_641 = arith.constant 32 : i32
        %mul3A_642 = arith.muli %scan3A_402, %mul3A_641 : i32
        %multiple_of3A_643 = tpu.assume_multiple %mul3A_642, 32 : i32
        %swap3A_644 = arith.index_cast %multiple_of3A_643 : i32 to index
        %swap3A_645 = tpu.vector_load %arg40[%swap3A_644] {strides = array<i32>} : memref<16384xf32, #tpu.memory_space<vmem>>, vector<16xf32>,
        tpu.vector_store %arg40[%swap3A_644], %gather3A_631 {strides = array<i32>} : memref<16384xf32, #tpu.memory_space<vmem>>, vector<16xf32>,
        %add3A_646 = arith.constant 16 : i32
        %add3A_647 = arith.addi %multiple_of3A_643, %add3A_646 : i32
        %swap3A_648 = arith.index_cast %add3A_647 : i32 to index
        %swap3A_649 = tpu.vector_load %arg40[%swap3A_648] {strides = array<i32>} : memref<16384xf32, #tpu.memory_space<vmem>>, vector<16xf32>,
        tpu.vector_store %arg40[%swap3A_648], %gather3A_635 {strides = array<i32>} : memref<16384xf32, #tpu.memory_space<vmem>>, vector<16xf32>,
        %swap3A_650 = arith.index_cast %multiple_of3A_643 : i32 to index
        %swap3A_651 = tpu.vector_load %arg41[%swap3A_650] {strides = array<i32>} : memref<16384xf32, #tpu.memory_space<vmem>>, vector<16xf32>,
        tpu.vector_store %arg41[%swap3A_650], %gather3A_636 {strides = array<i32>} : memref<16384xf32, #tpu.memory_space<vmem>>, vector<16xf32>,
        %add3A_652 = arith.constant 16 : i32
        %add3A_653 = arith.addi %multiple_of3A_643, %add3A_652 : i32
        %swap3A_654 = arith.index_cast %add3A_653 : i32 to index
        %swap3A_655 = tpu.vector_load %arg41[%swap3A_654] {strides = array<i32>} : memref<16384xf32, #tpu.memory_space<vmem>>, vector<16xf32>,
        tpu.vector_store %arg41[%swap3A_654], %gather3A_640 {strides = array<i32>} : memref<16384xf32, #tpu.memory_space<vmem>>, vector<16xf32>,
      } else {
      }
      %jit3A_547 = arith.constant 6 : i32
      %eq3A_548 = arith.constant 0 : i32
      %eq3A_549 = arith.cmpi eq, %jit3A_547, %eq3A_548 : i32
      %jit3A_550 = arith.constant 1 : i32
      %select_n3A_551 = arith.select %eq3A_549, %jit3A_550, %jit3A_547 : i32
      %rem3A_552 = arith.remsi %scan3A_402, %select_n3A_551 : i32
      %ne3A_553 = arith.constant 0 : i32
      %ne3A_554 = arith.cmpi ne, %rem3A_552, %ne3A_553 : i32
      %lt3A_555 = arith.constant 0 : i32
      %lt3A_556 = arith.cmpi slt, %rem3A_552, %lt3A_555 : i32
      %lt3A_557 = arith.constant 0 : i32
      %lt3A_558 = arith.cmpi slt, %select_n3A_551, %lt3A_557 : i32
      %ne3A_559 = arith.xori %lt3A_556, %lt3A_558 : i1
      %and3A_560 = arith.andi %ne3A_559, %ne3A_554 : i1
      %add3A_561 = arith.addi %rem3A_552, %select_n3A_551 : i32
      %select_n3A_562 = arith.select %and3A_560, %add3A_561, %rem3A_552 : i32
      %eq3A_563 = arith.constant 5 : i32
      %eq3A_564 = arith.cmpi eq, %select_n3A_562, %eq3A_563 : i32
      %convert_element_type3A_565 = arith.extui %eq3A_564 : i1 to i32
      %cond3A_566 = arith.constant 0 : i32
      %cond3A_567 = arith.cmpi ne, %convert_element_type3A_565, %cond3A_566 : i32
      scf.if %cond3A_567 {
        %shift_right_arithmetic3A_568 = arith.constant 7 : i32
        %shift_right_arithmetic3A_569 = arith.shrsi %reduce_max3A_438, %shift_right_arithmetic3A_568 : i32
        %mul3A_570 = arith.constant 128 : i32
        %mul3A_571 = arith.muli %shift_right_arithmetic3A_569, %mul3A_570 : i32
        %multiple_of3A_572 = tpu.assume_multiple %mul3A_571, 128 : i32
        %shift_right_arithmetic3A_573 = arith.constant 7 : i32
        %shift_right_arithmetic3A_574 = arith.shrsi %reduce_max3A_447, %shift_right_arithmetic3A_573 : i32
        %mul3A_575 = arith.constant 128 : i32
        %mul3A_576 = arith.muli %shift_right_arithmetic3A_574, %mul3A_575 : i32
        %multiple_of3A_577 = tpu.assume_multiple %mul3A_576, 128 : i32
        %dma_start3A_578 = arith.constant 0 : i32
        %dma_start3A_579 = tpu.memref_slice %arg4[%dma_start3A_578, %multiple_of3A_572] : memref<16x1000000xf32, #tpu.memory_space<hbm>> -> memref<16x128xf32, #tpu.memory_space<hbm>>
        %dma_start3A_580 = arith.constant 0 : i32
        %dma_start3A_581 = tpu.memref_slice %arg4[%dma_start3A_580, %multiple_of3A_572] : memref<16x1000000xf32, #tpu.memory_space<hbm>> -> memref<16x128xf32, #tpu.memory_space<hbm>>
        tpu.enqueue_dma source(%dma_start3A_581 : memref<16x128xf32, #tpu.memory_space<hbm>>) target(%arg30 : memref<16x128xf32, #tpu.memory_space<vmem>>) target_semaphore(%arg46 : memref<!tpu.dma_semaphore, #tpu.memory_space<semaphore_mem>>)
        %dma_start3A_582 = arith.constant 0 : i32
        %dma_start3A_583 = tpu.memref_slice %arg5[%dma_start3A_582, %multiple_of3A_577] : memref<16x1000000xf32, #tpu.memory_space<hbm>> -> memref<16x128xf32, #tpu.memory_space<hbm>>
        %dma_start3A_584 = arith.constant 0 : i32
        %dma_start3A_585 = tpu.memref_slice %arg5[%dma_start3A_584, %multiple_of3A_577] : memref<16x1000000xf32, #tpu.memory_space<hbm>> -> memref<16x128xf32, #tpu.memory_space<hbm>>
        tpu.enqueue_dma source(%dma_start3A_585 : memref<16x128xf32, #tpu.memory_space<hbm>>) target(%arg31 : memref<16x128xf32, #tpu.memory_space<vmem>>) target_semaphore(%arg46 : memref<!tpu.dma_semaphore, #tpu.memory_space<semaphore_mem>>)
        %dma_start3A_586 = arith.constant 0 : i32
        %dma_start3A_587 = tpu.memref_slice %arg6[%dma_start3A_586, %multiple_of3A_572] : memref<32x1000000xf32, #tpu.memory_space<hbm>> -> memref<32x128xf32, #tpu.memory_space<hbm>>
        %dma_start3A_588 = arith.constant 0 : i32
        %dma_start3A_589 = tpu.memref_slice %arg6[%dma_start3A_588, %multiple_of3A_572] : memref<32x1000000xf32, #tpu.memory_space<hbm>> -> memref<32x128xf32, #tpu.memory_space<hbm>>
        tpu.enqueue_dma source(%dma_start3A_589 : memref<32x128xf32, #tpu.memory_space<hbm>>) target(%arg32 : memref<32x128xf32, #tpu.memory_space<vmem>>) target_semaphore(%arg46 : memref<!tpu.dma_semaphore, #tpu.memory_space<semaphore_mem>>)
        %dma_start3A_590 = arith.constant 0 : i32
        %dma_start3A_591 = tpu.memref_slice %arg7[%dma_start3A_590, %multiple_of3A_577] : memref<32x1000000xf32, #tpu.memory_space<hbm>> -> memref<32x128xf32, #tpu.memory_space<hbm>>
        %dma_start3A_592 = arith.constant 0 : i32
        %dma_start3A_593 = tpu.memref_slice %arg7[%dma_start3A_592, %multiple_of3A_577] : memref<32x1000000xf32, #tpu.memory_space<hbm>> -> memref<32x128xf32, #tpu.memory_space<hbm>>
        tpu.enqueue_dma source(%dma_start3A_593 : memref<32x128xf32, #tpu.memory_space<hbm>>) target(%arg33 : memref<32x128xf32, #tpu.memory_space<vmem>>) target_semaphore(%arg46 : memref<!tpu.dma_semaphore, #tpu.memory_space<semaphore_mem>>)
        %dma_wait3A_594 = arith.constant 0 : i32
        %dma_wait3A_595 = arith.constant 0 : i32
        %dma_wait3A_596 = tpu.memref_slice %arg4[%dma_wait3A_594, %dma_wait3A_595] : memref<16x1000000xf32, #tpu.memory_space<hbm>> -> memref<16x128xf32, #tpu.memory_space<hbm>>
        %dma_wait3A_597 = arith.constant 0 : i32
        %dma_wait3A_598 = arith.constant 0 : i32
        %dma_wait3A_599 = tpu.memref_slice %arg4[%dma_wait3A_597, %dma_wait3A_598] : memref<16x1000000xf32, #tpu.memory_space<hbm>> -> memref<16x128xf32, #tpu.memory_space<hbm>>
        tpu.wait_dma2 semaphore(%arg47 : memref<!tpu.dma_semaphore, #tpu.memory_space<semaphore_mem>>) src(%dma_wait3A_599 : memref<16x128xf32, #tpu.memory_space<hbm>>) dst(%arg34 : memref<16x128xf32, #tpu.memory_space<vmem>>)
        %dma_wait3A_600 = arith.constant 0 : i32
        %dma_wait3A_601 = arith.constant 0 : i32
        %dma_wait3A_602 = tpu.memref_slice %arg5[%dma_wait3A_600, %dma_wait3A_601] : memref<16x1000000xf32, #tpu.memory_space<hbm>> -> memref<16x128xf32, #tpu.memory_space<hbm>>
        %dma_wait3A_603 = arith.constant 0 : i32
        %dma_wait3A_604 = arith.constant 0 : i32
        %dma_wait3A_605 = tpu.memref_slice %arg5[%dma_wait3A_603, %dma_wait3A_604] : memref<16x1000000xf32, #tpu.memory_space<hbm>> -> memref<16x128xf32, #tpu.memory_space<hbm>>
        tpu.wait_dma2 semaphore(%arg47 : memref<!tpu.dma_semaphore, #tpu.memory_space<semaphore_mem>>) src(%dma_wait3A_605 : memref<16x128xf32, #tpu.memory_space<hbm>>) dst(%arg35 : memref<16x128xf32, #tpu.memory_space<vmem>>)
        %dma_wait3A_606 = arith.constant 0 : i32
        %dma_wait3A_607 = arith.constant 0 : i32
        %dma_wait3A_608 = tpu.memref_slice %arg6[%dma_wait3A_606, %dma_wait3A_607] : memref<32x1000000xf32, #tpu.memory_space<hbm>> -> memref<32x128xf32, #tpu.memory_space<hbm>>
        %dma_wait3A_609 = arith.constant 0 : i32
        %dma_wait3A_610 = arith.constant 0 : i32
        %dma_wait3A_611 = tpu.memref_slice %arg6[%dma_wait3A_609, %dma_wait3A_610] : memref<32x1000000xf32, #tpu.memory_space<hbm>> -> memref<32x128xf32, #tpu.memory_space<hbm>>
        tpu.wait_dma2 semaphore(%arg47 : memref<!tpu.dma_semaphore, #tpu.memory_space<semaphore_mem>>) src(%dma_wait3A_611 : memref<32x128xf32, #tpu.memory_space<hbm>>) dst(%arg36 : memref<32x128xf32, #tpu.memory_space<vmem>>)
        %dma_wait3A_612 = arith.constant 0 : i32
        %dma_wait3A_613 = arith.constant 0 : i32
        %dma_wait3A_614 = tpu.memref_slice %arg7[%dma_wait3A_612, %dma_wait3A_613] : memref<32x1000000xf32, #tpu.memory_space<hbm>> -> memref<32x128xf32, #tpu.memory_space<hbm>>
        %dma_wait3A_615 = arith.constant 0 : i32
        %dma_wait3A_616 = arith.constant 0 : i32
        %dma_wait3A_617 = tpu.memref_slice %arg7[%dma_wait3A_615, %dma_wait3A_616] : memref<32x1000000xf32, #tpu.memory_space<hbm>> -> memref<32x128xf32, #tpu.memory_space<hbm>>
        tpu.wait_dma2 semaphore(%arg47 : memref<!tpu.dma_semaphore, #tpu.memory_space<semaphore_mem>>) src(%dma_wait3A_617 : memref<32x128xf32, #tpu.memory_space<hbm>>) dst(%arg37 : memref<32x128xf32, #tpu.memory_space<vmem>>)
        %and3A_618 = arith.constant 127 : i32
        %and3A_619 = arith.andi %scan3A_403, %and3A_618 : i32
        %broadcast_in_dim3A_620 = vector.broadcast %and3A_619 : i32 to vector<16xi32>
        %and3A_621 = arith.constant 127 : i32
        %and3A_622 = arith.andi %scan3A_404, %and3A_621 : i32
        %broadcast_in_dim3A_623 = vector.broadcast %and3A_622 : i32 to vector<16xi32>
        %gather3A = tpu.vector_load_idx %arg34[%iota3A, %broadcast_in_dim3A_620] : memref<16x128xf32, #tpu.memory_space<vmem>>[vector<16xi32>, vector<16xi32>], vector<16xf32>,
        %gather3A_624 = tpu.vector_load_idx %arg35[%iota3A, %broadcast_in_dim3A_623] : memref<16x128xf32, #tpu.memory_space<vmem>>[vector<16xi32>, vector<16xi32>], vector<16xf32>,
        %mul3A_625 = arith.constant 16 : i32
        %mul3A_626 = arith.muli %scan3A_402, %mul3A_625 : i32
        %multiple_of3A_627 = tpu.assume_multiple %mul3A_626, 16 : i32
        %swap3A = arith.index_cast %multiple_of3A_627 : i32 to index
        %swap3A_628 = tpu.vector_load %arg38[%swap3A] {strides = array<i32>} : memref<8192xf32, #tpu.memory_space<vmem>>, vector<16xf32>,
        tpu.vector_store %arg38[%swap3A], %gather3A {strides = array<i32>} : memref<8192xf32, #tpu.memory_space<vmem>>, vector<16xf32>,
        %swap3A_629 = arith.index_cast %multiple_of3A_627 : i32 to index
        %swap3A_630 = tpu.vector_load %arg39[%swap3A_629] {strides = array<i32>} : memref<8192xf32, #tpu.memory_space<vmem>>, vector<16xf32>,
        tpu.vector_store %arg39[%swap3A_629], %gather3A_624 {strides = array<i32>} : memref<8192xf32, #tpu.memory_space<vmem>>, vector<16xf32>,
        %gather3A_631 = tpu.vector_load_idx %arg36[%iota3A, %broadcast_in_dim3A_620] : memref<32x128xf32, #tpu.memory_space<vmem>>[vector<16xi32>, vector<16xi32>], vector<16xf32>,
        %add3A_632 = arith.constant 16 : i32
        %add3A_633 = vector.broadcast %add3A_632 : i32 to vector<16xi32>
        %add3A_634 = arith.addi %iota3A, %add3A_633 : vector<16xi32>
        %gather3A_635 = tpu.vector_load_idx %arg36[%add3A_634, %broadcast_in_dim3A_620] : memref<32x128xf32, #tpu.memory_space<vmem>>[vector<16xi32>, vector<16xi32>], vector<16xf32>,
        %gather3A_636 = tpu.vector_load_idx %arg37[%iota3A, %broadcast_in_dim3A_623] : memref<32x128xf32, #tpu.memory_space<vmem>>[vector<16xi32>, vector<16xi32>], vector<16xf32>,
        %add3A_637 = arith.constant 16 : i32
        %add3A_638 = vector.broadcast %add3A_637 : i32 to vector<16xi32>
        %add3A_639 = arith.addi %iota3A, %add3A_638 : vector<16xi32>
        %gather3A_640 = tpu.vector_load_idx %arg37[%add3A_639, %broadcast_in_dim3A_623] : memref<32x128xf32, #tpu.memory_space<vmem>>[vector<16xi32>, vector<16xi32>], vector<16xf32>,
        %mul3A_641 = arith.constant 32 : i32
        %mul3A_642 = arith.muli %scan3A_402, %mul3A_641 : i32
        %multiple_of3A_643 = tpu.assume_multiple %mul3A_642, 32 : i32
        %swap3A_644 = arith.index_cast %multiple_of3A_643 : i32 to index
        %swap3A_645 = tpu.vector_load %arg40[%swap3A_644] {strides = array<i32>} : memref<16384xf32, #tpu.memory_space<vmem>>, vector<16xf32>,
        tpu.vector_store %arg40[%swap3A_644], %gather3A_631 {strides = array<i32>} : memref<16384xf32, #tpu.memory_space<vmem>>, vector<16xf32>,
        %add3A_646 = arith.constant 16 : i32
        %add3A_647 = arith.addi %multiple_of3A_643, %add3A_646 : i32
        %swap3A_648 = arith.index_cast %add3A_647 : i32 to index
        %swap3A_649 = tpu.vector_load %arg40[%swap3A_648] {strides = array<i32>} : memref<16384xf32, #tpu.memory_space<vmem>>, vector<16xf32>,
        tpu.vector_store %arg40[%swap3A_648], %gather3A_635 {strides = array<i32>} : memref<16384xf32, #tpu.memory_space<vmem>>, vector<16xf32>,
        %swap3A_650 = arith.index_cast %multiple_of3A_643 : i32 to index
        %swap3A_651 = tpu.vector_load %arg41[%swap3A_650] {strides = array<i32>} : memref<16384xf32, #tpu.memory_space<vmem>>, vector<16xf32>,
        tpu.vector_store %arg41[%swap3A_650], %gather3A_636 {strides = array<i32>} : memref<16384xf32, #tpu.memory_space<vmem>>, vector<16xf32>,
        %add3A_652 = arith.constant 16 : i32
        %add3A_653 = arith.addi %multiple_of3A_643, %add3A_652 : i32
        %swap3A_654 = arith.index_cast %add3A_653 : i32 to index
        %swap3A_655 = tpu.vector_load %arg41[%swap3A_654] {strides = array<i32>} : memref<16384xf32, #tpu.memory_space<vmem>>, vector<16xf32>,
        tpu.vector_store %arg41[%swap3A_654], %gather3A_640 {strides = array<i32>} : memref<16384xf32, #tpu.memory_space<vmem>>, vector<16xf32>,
      } else {
      }
      scf.yield %scan3A_405, %scan3A_406, %scan3A_407, %scan3A_408, %scan3A_409, %scan3A_410, %scan3A_411, %scan3A_412, %reduce_max3A_438, %reduce_max3A_447 : i32, i32, i32, i32, i32, i32, i32, i32, i32, i32
    }
    %scan3A_274 = arith.constant 512 : i32
    %dma_wait3A = arith.constant 0 : i32
    %dma_wait3A_275 = arith.constant 0 : i32
    %dma_wait3A_276 = tpu.memref_slice %arg4[%dma_wait3A, %dma_wait3A_275] : memref<16x1000000xf32, #tpu.memory_space<hbm>> -> memref<16x128xf32, #tpu.memory_space<hbm>>
    %dma_wait3A_277 = arith.constant 0 : i32
    %dma_wait3A_278 = arith.constant 0 : i32
    %dma_wait3A_279 = tpu.memref_slice %arg4[%dma_wait3A_277, %dma_wait3A_278] : memref<16x1000000xf32, #tpu.memory_space<hbm>> -> memref<16x128xf32, #tpu.memory_space<hbm>>
    tpu.wait_dma2 semaphore(%arg44 : memref<!tpu.dma_semaphore, #tpu.memory_space<semaphore_mem>>) src(%dma_wait3A_279 : memref<16x128xf32, #tpu.memory_space<hbm>>) dst(%arg22 : memref<16x128xf32, #tpu.memory_space<vmem>>)
    %dma_wait3A_280 = arith.constant 0 : i32
    %dma_wait3A_281 = arith.constant 0 : i32
    %dma_wait3A_282 = tpu.memref_slice %arg5[%dma_wait3A_280, %dma_wait3A_281] : memref<16x1000000xf32, #tpu.memory_space<hbm>> -> memref<16x128xf32, #tpu.memory_space<hbm>>
    %dma_wait3A_283 = arith.constant 0 : i32
    %dma_wait3A_284 = arith.constant 0 : i32
    %dma_wait3A_285 = tpu.memref_slice %arg5[%dma_wait3A_283, %dma_wait3A_284] : memref<16x1000000xf32, #tpu.memory_space<hbm>> -> memref<16x128xf32, #tpu.memory_space<hbm>>
    tpu.wait_dma2 semaphore(%arg44 : memref<!tpu.dma_semaphore, #tpu.memory_space<semaphore_mem>>) src(%dma_wait3A_285 : memref<16x128xf32, #tpu.memory_space<hbm>>) dst(%arg23 : memref<16x128xf32, #tpu.memory_space<vmem>>)
    %dma_wait3A_286 = arith.constant 0 : i32
    %dma_wait3A_287 = arith.constant 0 : i32
    %dma_wait3A_288 = tpu.memref_slice %arg6[%dma_wait3A_286, %dma_wait3A_287] : memref<32x1000000xf32, #tpu.memory_space<hbm>> -> memref<32x128xf32, #tpu.memory_space<hbm>>
    %dma_wait3A_289 = arith.constant 0 : i32
    %dma_wait3A_290 = arith.constant 0 : i32
    %dma_wait3A_291 = tpu.memref_slice %arg6[%dma_wait3A_289, %dma_wait3A_290] : memref<32x1000000xf32, #tpu.memory_space<hbm>> -> memref<32x128xf32, #tpu.memory_space<hbm>>
    tpu.wait_dma2 semaphore(%arg44 : memref<!tpu.dma_semaphore, #tpu.memory_space<semaphore_mem>>) src(%dma_wait3A_291 : memref<32x128xf32, #tpu.memory_space<hbm>>) dst(%arg24 : memref<32x128xf32, #tpu.memory_space<vmem>>)
    %dma_wait3A_292 = arith.constant 0 : i32
    %dma_wait3A_293 = arith.constant 0 : i32
    %dma_wait3A_294 = tpu.memref_slice %arg7[%dma_wait3A_292, %dma_wait3A_293] : memref<32x1000000xf32, #tpu.memory_space<hbm>> -> memref<32x128xf32, #tpu.memory_space<hbm>>
    %dma_wait3A_295 = arith.constant 0 : i32
    %dma_wait3A_296 = arith.constant 0 : i32
    %dma_wait3A_297 = tpu.memref_slice %arg7[%dma_wait3A_295, %dma_wait3A_296] : memref<32x1000000xf32, #tpu.memory_space<hbm>> -> memref<32x128xf32, #tpu.memory_space<hbm>>
    tpu.wait_dma2 semaphore(%arg44 : memref<!tpu.dma_semaphore, #tpu.memory_space<semaphore_mem>>) src(%dma_wait3A_297 : memref<32x128xf32, #tpu.memory_space<hbm>>) dst(%arg25 : memref<32x128xf32, #tpu.memory_space<vmem>>)
    %dma_wait3A_298 = arith.constant 0 : i32
    %dma_wait3A_299 = arith.constant 0 : i32
    %dma_wait3A_300 = tpu.memref_slice %arg4[%dma_wait3A_298, %dma_wait3A_299] : memref<16x1000000xf32, #tpu.memory_space<hbm>> -> memref<16x128xf32, #tpu.memory_space<hbm>>
    %dma_wait3A_301 = arith.constant 0 : i32
    %dma_wait3A_302 = arith.constant 0 : i32
    %dma_wait3A_303 = tpu.memref_slice %arg4[%dma_wait3A_301, %dma_wait3A_302] : memref<16x1000000xf32, #tpu.memory_space<hbm>> -> memref<16x128xf32, #tpu.memory_space<hbm>>
    tpu.wait_dma2 semaphore(%arg45 : memref<!tpu.dma_semaphore, #tpu.memory_space<semaphore_mem>>) src(%dma_wait3A_303 : memref<16x128xf32, #tpu.memory_space<hbm>>) dst(%arg26 : memref<16x128xf32, #tpu.memory_space<vmem>>)
    %dma_wait3A_304 = arith.constant 0 : i32
    %dma_wait3A_305 = arith.constant 0 : i32
    %dma_wait3A_306 = tpu.memref_slice %arg5[%dma_wait3A_304, %dma_wait3A_305] : memref<16x1000000xf32, #tpu.memory_space<hbm>> -> memref<16x128xf32, #tpu.memory_space<hbm>>
    %dma_wait3A_307 = arith.constant 0 : i32
    %dma_wait3A_308 = arith.constant 0 : i32
    %dma_wait3A_309 = tpu.memref_slice %arg5[%dma_wait3A_307, %dma_wait3A_308] : memref<16x1000000xf32, #tpu.memory_space<hbm>> -> memref<16x128xf32, #tpu.memory_space<hbm>>
    tpu.wait_dma2 semaphore(%arg45 : memref<!tpu.dma_semaphore, #tpu.memory_space<semaphore_mem>>) src(%dma_wait3A_309 : memref<16x128xf32, #tpu.memory_space<hbm>>) dst(%arg27 : memref<16x128xf32, #tpu.memory_space<vmem>>)
    %dma_wait3A_310 = arith.constant 0 : i32
    %dma_wait3A_311 = arith.constant 0 : i32
    %dma_wait3A_312 = tpu.memref_slice %arg6[%dma_wait3A_310, %dma_wait3A_311] : memref<32x1000000xf32, #tpu.memory_space<hbm>> -> memref<32x128xf32, #tpu.memory_space<hbm>>
    %dma_wait3A_313 = arith.constant 0 : i32
    %dma_wait3A_314 = arith.constant 0 : i32
    %dma_wait3A_315 = tpu.memref_slice %arg6[%dma_wait3A_313, %dma_wait3A_314] : memref<32x1000000xf32, #tpu.memory_space<hbm>> -> memref<32x128xf32, #tpu.memory_space<hbm>>
    tpu.wait_dma2 semaphore(%arg45 : memref<!tpu.dma_semaphore, #tpu.memory_space<semaphore_mem>>) src(%dma_wait3A_315 : memref<32x128xf32, #tpu.memory_space<hbm>>) dst(%arg28 : memref<32x128xf32, #tpu.memory_space<vmem>>)
    %dma_wait3A_316 = arith.constant 0 : i32
    %dma_wait3A_317 = arith.constant 0 : i32
    %dma_wait3A_318 = tpu.memref_slice %arg7[%dma_wait3A_316, %dma_wait3A_317] : memref<32x1000000xf32, #tpu.memory_space<hbm>> -> memref<32x128xf32, #tpu.memory_space<hbm>>
    %dma_wait3A_319 = arith.constant 0 : i32
    %dma_wait3A_320 = arith.constant 0 : i32
    %dma_wait3A_321 = tpu.memref_slice %arg7[%dma_wait3A_319, %dma_wait3A_320] : memref<32x1000000xf32, #tpu.memory_space<hbm>> -> memref<32x128xf32, #tpu.memory_space<hbm>>
    tpu.wait_dma2 semaphore(%arg45 : memref<!tpu.dma_semaphore, #tpu.memory_space<semaphore_mem>>) src(%dma_wait3A_321 : memref<32x128xf32, #tpu.memory_space<hbm>>) dst(%arg29 : memref<32x128xf32, #tpu.memory_space<vmem>>)
    %dma_wait3A_322 = arith.constant 0 : i32
    %dma_wait3A_323 = arith.constant 0 : i32
    %dma_wait3A_324 = tpu.memref_slice %arg4[%dma_wait3A_322, %dma_wait3A_323] : memref<16x1000000xf32, #tpu.memory_space<hbm>> -> memref<16x128xf32, #tpu.memory_space<hbm>>
    %dma_wait3A_325 = arith.constant 0 : i32
    %dma_wait3A_326 = arith.constant 0 : i32
    %dma_wait3A_327 = tpu.memref_slice %arg4[%dma_wait3A_325, %dma_wait3A_326] : memref<16x1000000xf32, #tpu.memory_space<hbm>> -> memref<16x128xf32, #tpu.memory_space<hbm>>
    tpu.wait_dma2 semaphore(%arg46 : memref<!tpu.dma_semaphore, #tpu.memory_space<semaphore_mem>>) src(%dma_wait3A_327 : memref<16x128xf32, #tpu.memory_space<hbm>>) dst(%arg30 : memref<16x128xf32, #tpu.memory_space<vmem>>)
    %dma_wait3A_328 = arith.constant 0 : i32
    %dma_wait3A_329 = arith.constant 0 : i32
    %dma_wait3A_330 = tpu.memref_slice %arg5[%dma_wait3A_328, %dma_wait3A_329] : memref<16x1000000xf32, #tpu.memory_space<hbm>> -> memref<16x128xf32, #tpu.memory_space<hbm>>
    %dma_wait3A_331 = arith.constant 0 : i32
    %dma_wait3A_332 = arith.constant 0 : i32
    %dma_wait3A_333 = tpu.memref_slice %arg5[%dma_wait3A_331, %dma_wait3A_332] : memref<16x1000000xf32, #tpu.memory_space<hbm>> -> memref<16x128xf32, #tpu.memory_space<hbm>>
    tpu.wait_dma2 semaphore(%arg46 : memref<!tpu.dma_semaphore, #tpu.memory_space<semaphore_mem>>) src(%dma_wait3A_333 : memref<16x128xf32, #tpu.memory_space<hbm>>) dst(%arg31 : memref<16x128xf32, #tpu.memory_space<vmem>>)
    %dma_wait3A_334 = arith.constant 0 : i32
    %dma_wait3A_335 = arith.constant 0 : i32
    %dma_wait3A_336 = tpu.memref_slice %arg6[%dma_wait3A_334, %dma_wait3A_335] : memref<32x1000000xf32, #tpu.memory_space<hbm>> -> memref<32x128xf32, #tpu.memory_space<hbm>>
    %dma_wait3A_337 = arith.constant 0 : i32
    %dma_wait3A_338 = arith.constant 0 : i32
    %dma_wait3A_339 = tpu.memref_slice %arg6[%dma_wait3A_337, %dma_wait3A_338] : memref<32x1000000xf32, #tpu.memory_space<hbm>> -> memref<32x128xf32, #tpu.memory_space<hbm>>
    tpu.wait_dma2 semaphore(%arg46 : memref<!tpu.dma_semaphore, #tpu.memory_space<semaphore_mem>>) src(%dma_wait3A_339 : memref<32x128xf32, #tpu.memory_space<hbm>>) dst(%arg32 : memref<32x128xf32, #tpu.memory_space<vmem>>)
    %dma_wait3A_340 = arith.constant 0 : i32
    %dma_wait3A_341 = arith.constant 0 : i32
    %dma_wait3A_342 = tpu.memref_slice %arg7[%dma_wait3A_340, %dma_wait3A_341] : memref<32x1000000xf32, #tpu.memory_space<hbm>> -> memref<32x128xf32, #tpu.memory_space<hbm>>
    %dma_wait3A_343 = arith.constant 0 : i32
    %dma_wait3A_344 = arith.constant 0 : i32
    %dma_wait3A_345 = tpu.memref_slice %arg7[%dma_wait3A_343, %dma_wait3A_344] : memref<32x1000000xf32, #tpu.memory_space<hbm>> -> memref<32x128xf32, #tpu.memory_space<hbm>>
    tpu.wait_dma2 semaphore(%arg46 : memref<!tpu.dma_semaphore, #tpu.memory_space<semaphore_mem>>) src(%dma_wait3A_345 : memref<32x128xf32, #tpu.memory_space<hbm>>) dst(%arg33 : memref<32x128xf32, #tpu.memory_space<vmem>>)
    %dma_wait3A_346 = arith.constant 0 : i32
    %dma_wait3A_347 = arith.constant 0 : i32
    %dma_wait3A_348 = tpu.memref_slice %arg4[%dma_wait3A_346, %dma_wait3A_347] : memref<16x1000000xf32, #tpu.memory_space<hbm>> -> memref<16x128xf32, #tpu.memory_space<hbm>>
    %dma_wait3A_349 = arith.constant 0 : i32
    %dma_wait3A_350 = arith.constant 0 : i32
    %dma_wait3A_351 = tpu.memref_slice %arg4[%dma_wait3A_349, %dma_wait3A_350] : memref<16x1000000xf32, #tpu.memory_space<hbm>> -> memref<16x128xf32, #tpu.memory_space<hbm>>
    tpu.wait_dma2 semaphore(%arg47 : memref<!tpu.dma_semaphore, #tpu.memory_space<semaphore_mem>>) src(%dma_wait3A_351 : memref<16x128xf32, #tpu.memory_space<hbm>>) dst(%arg34 : memref<16x128xf32, #tpu.memory_space<vmem>>)
    %dma_wait3A_352 = arith.constant 0 : i32
    %dma_wait3A_353 = arith.constant 0 : i32
    %dma_wait3A_354 = tpu.memref_slice %arg5[%dma_wait3A_352, %dma_wait3A_353] : memref<16x1000000xf32, #tpu.memory_space<hbm>> -> memref<16x128xf32, #tpu.memory_space<hbm>>
    %dma_wait3A_355 = arith.constant 0 : i32
    %dma_wait3A_356 = arith.constant 0 : i32
    %dma_wait3A_357 = tpu.memref_slice %arg5[%dma_wait3A_355, %dma_wait3A_356] : memref<16x1000000xf32, #tpu.memory_space<hbm>> -> memref<16x128xf32, #tpu.memory_space<hbm>>
    tpu.wait_dma2 semaphore(%arg47 : memref<!tpu.dma_semaphore, #tpu.memory_space<semaphore_mem>>) src(%dma_wait3A_357 : memref<16x128xf32, #tpu.memory_space<hbm>>) dst(%arg35 : memref<16x128xf32, #tpu.memory_space<vmem>>)
    %dma_wait3A_358 = arith.constant 0 : i32
    %dma_wait3A_359 = arith.constant 0 : i32
    %dma_wait3A_360 = tpu.memref_slice %arg6[%dma_wait3A_358, %dma_wait3A_359] : memref<32x1000000xf32, #tpu.memory_space<hbm>> -> memref<32x128xf32, #tpu.memory_space<hbm>>
    %dma_wait3A_361 = arith.constant 0 : i32
    %dma_wait3A_362 = arith.constant 0 : i32
    %dma_wait3A_363 = tpu.memref_slice %arg6[%dma_wait3A_361, %dma_wait3A_362] : memref<32x1000000xf32, #tpu.memory_space<hbm>> -> memref<32x128xf32, #tpu.memory_space<hbm>>
    tpu.wait_dma2 semaphore(%arg47 : memref<!tpu.dma_semaphore, #tpu.memory_space<semaphore_mem>>) src(%dma_wait3A_363 : memref<32x128xf32, #tpu.memory_space<hbm>>) dst(%arg36 : memref<32x128xf32, #tpu.memory_space<vmem>>)
    %dma_wait3A_364 = arith.constant 0 : i32
    %dma_wait3A_365 = arith.constant 0 : i32
    %dma_wait3A_366 = tpu.memref_slice %arg7[%dma_wait3A_364, %dma_wait3A_365] : memref<32x1000000xf32, #tpu.memory_space<hbm>> -> memref<32x128xf32, #tpu.memory_space<hbm>>
    %dma_wait3A_367 = arith.constant 0 : i32
    %dma_wait3A_368 = arith.constant 0 : i32
    %dma_wait3A_369 = tpu.memref_slice %arg7[%dma_wait3A_367, %dma_wait3A_368] : memref<32x1000000xf32, #tpu.memory_space<hbm>> -> memref<32x128xf32, #tpu.memory_space<hbm>>
    tpu.wait_dma2 semaphore(%arg47 : memref<!tpu.dma_semaphore, #tpu.memory_space<semaphore_mem>>) src(%dma_wait3A_369 : memref<32x128xf32, #tpu.memory_space<hbm>>) dst(%arg37 : memref<32x128xf32, #tpu.memory_space<vmem>>)
    %dma_wait3A_370 = arith.constant 0 : i32
    %dma_wait3A_371 = arith.constant 0 : i32
    %dma_wait3A_372 = tpu.memref_slice %arg4[%dma_wait3A_370, %dma_wait3A_371] : memref<16x1000000xf32, #tpu.memory_space<hbm>> -> memref<16x128xf32, #tpu.memory_space<hbm>>
    %dma_wait3A_373 = arith.constant 0 : i32
    %dma_wait3A_374 = arith.constant 0 : i32
    %dma_wait3A_375 = tpu.memref_slice %arg4[%dma_wait3A_373, %dma_wait3A_374] : memref<16x1000000xf32, #tpu.memory_space<hbm>> -> memref<16x128xf32, #tpu.memory_space<hbm>>
    tpu.wait_dma2 semaphore(%arg42 : memref<!tpu.dma_semaphore, #tpu.memory_space<semaphore_mem>>) src(%dma_wait3A_375 : memref<16x128xf32, #tpu.memory_space<hbm>>) dst(%arg14 : memref<16x128xf32, #tpu.memory_space<vmem>>)
    %dma_wait3A_376 = arith.constant 0 : i32
    %dma_wait3A_377 = arith.constant 0 : i32
    %dma_wait3A_378 = tpu.memref_slice %arg5[%dma_wait3A_376, %dma_wait3A_377] : memref<16x1000000xf32, #tpu.memory_space<hbm>> -> memref<16x128xf32, #tpu.memory_space<hbm>>
    %dma_wait3A_379 = arith.constant 0 : i32
    %dma_wait3A_380 = arith.constant 0 : i32
    %dma_wait3A_381 = tpu.memref_slice %arg5[%dma_wait3A_379, %dma_wait3A_380] : memref<16x1000000xf32, #tpu.memory_space<hbm>> -> memref<16x128xf32, #tpu.memory_space<hbm>>
    tpu.wait_dma2 semaphore(%arg42 : memref<!tpu.dma_semaphore, #tpu.memory_space<semaphore_mem>>) src(%dma_wait3A_381 : memref<16x128xf32, #tpu.memory_space<hbm>>) dst(%arg15 : memref<16x128xf32, #tpu.memory_space<vmem>>)
    %dma_wait3A_382 = arith.constant 0 : i32
    %dma_wait3A_383 = arith.constant 0 : i32
    %dma_wait3A_384 = tpu.memref_slice %arg6[%dma_wait3A_382, %dma_wait3A_383] : memref<32x1000000xf32, #tpu.memory_space<hbm>> -> memref<32x128xf32, #tpu.memory_space<hbm>>
    %dma_wait3A_385 = arith.constant 0 : i32
    %dma_wait3A_386 = arith.constant 0 : i32
    %dma_wait3A_387 = tpu.memref_slice %arg6[%dma_wait3A_385, %dma_wait3A_386] : memref<32x1000000xf32, #tpu.memory_space<hbm>> -> memref<32x128xf32, #tpu.memory_space<hbm>>
    tpu.wait_dma2 semaphore(%arg42 : memref<!tpu.dma_semaphore, #tpu.memory_space<semaphore_mem>>) src(%dma_wait3A_387 : memref<32x128xf32, #tpu.memory_space<hbm>>) dst(%arg16 : memref<32x128xf32, #tpu.memory_space<vmem>>)
    %dma_wait3A_388 = arith.constant 0 : i32
    %dma_wait3A_389 = arith.constant 0 : i32
    %dma_wait3A_390 = tpu.memref_slice %arg7[%dma_wait3A_388, %dma_wait3A_389] : memref<32x1000000xf32, #tpu.memory_space<hbm>> -> memref<32x128xf32, #tpu.memory_space<hbm>>
    %dma_wait3A_391 = arith.constant 0 : i32
    %dma_wait3A_392 = arith.constant 0 : i32
    %dma_wait3A_393 = tpu.memref_slice %arg7[%dma_wait3A_391, %dma_wait3A_392] : memref<32x1000000xf32, #tpu.memory_space<hbm>> -> memref<32x128xf32, #tpu.memory_space<hbm>>
    tpu.wait_dma2 semaphore(%arg42 : memref<!tpu.dma_semaphore, #tpu.memory_space<semaphore_mem>>) src(%dma_wait3A_393 : memref<32x128xf32, #tpu.memory_space<hbm>>) dst(%arg17 : memref<32x128xf32, #tpu.memory_space<vmem>>)
    %mul3A_394 = arith.constant 16 : i32
    %mul3A_395 = arith.muli %mul3A_2, %mul3A_394 : i32
    "tpu.region"() ({
      %run_scoped3A = tpu.sem_alloc : memref<!tpu.dma_semaphore, #tpu.memory_space<semaphore_mem>>
      %dma_start3A_402 = tpu.memref_slice %arg8[%mul3A_395] : memref<262144xf32, #tpu.memory_space<hbm>> -> memref<8192xf32, #tpu.memory_space<hbm>>
      %dma_start3A_403 = tpu.memref_slice %arg8[%mul3A_395] : memref<262144xf32, #tpu.memory_space<hbm>> -> memref<8192xf32, #tpu.memory_space<hbm>>
      tpu.enqueue_dma source(%arg38 : memref<8192xf32, #tpu.memory_space<vmem>>) target(%dma_start3A_403 : memref<8192xf32, #tpu.memory_space<hbm>>) target_semaphore(%run_scoped3A : memref<!tpu.dma_semaphore, #tpu.memory_space<semaphore_mem>>)
      %dma_wait3A_404 = tpu.memref_slice %arg8[%mul3A_395] : memref<262144xf32, #tpu.memory_space<hbm>> -> memref<8192xf32, #tpu.memory_space<hbm>>
      %dma_wait3A_405 = tpu.memref_slice %arg8[%mul3A_395] : memref<262144xf32, #tpu.memory_space<hbm>> -> memref<8192xf32, #tpu.memory_space<hbm>>
      tpu.wait_dma2 semaphore(%run_scoped3A : memref<!tpu.dma_semaphore, #tpu.memory_space<semaphore_mem>>) src(%arg38 : memref<8192xf32, #tpu.memory_space<vmem>>) dst(%dma_wait3A_405 : memref<8192xf32, #tpu.memory_space<hbm>>)
      tpu.yield
    }) : () -> ()
    %mul3A_396 = arith.constant 16 : i32
    %mul3A_397 = arith.muli %mul3A_2, %mul3A_396 : i32
    "tpu.region"() ({
      %run_scoped3A = tpu.sem_alloc : memref<!tpu.dma_semaphore, #tpu.memory_space<semaphore_mem>>
      %dma_start3A_402 = tpu.memref_slice %arg9[%mul3A_397] : memref<262144xf32, #tpu.memory_space<hbm>> -> memref<8192xf32, #tpu.memory_space<hbm>>
      %dma_start3A_403 = tpu.memref_slice %arg9[%mul3A_397] : memref<262144xf32, #tpu.memory_space<hbm>> -> memref<8192xf32, #tpu.memory_space<hbm>>
      tpu.enqueue_dma source(%arg39 : memref<8192xf32, #tpu.memory_space<vmem>>) target(%dma_start3A_403 : memref<8192xf32, #tpu.memory_space<hbm>>) target_semaphore(%run_scoped3A : memref<!tpu.dma_semaphore, #tpu.memory_space<semaphore_mem>>)
      %dma_wait3A_404 = tpu.memref_slice %arg9[%mul3A_397] : memref<262144xf32, #tpu.memory_space<hbm>> -> memref<8192xf32, #tpu.memory_space<hbm>>
      %dma_wait3A_405 = tpu.memref_slice %arg9[%mul3A_397] : memref<262144xf32, #tpu.memory_space<hbm>> -> memref<8192xf32, #tpu.memory_space<hbm>>
      tpu.wait_dma2 semaphore(%run_scoped3A : memref<!tpu.dma_semaphore, #tpu.memory_space<semaphore_mem>>) src(%arg39 : memref<8192xf32, #tpu.memory_space<vmem>>) dst(%dma_wait3A_405 : memref<8192xf32, #tpu.memory_space<hbm>>)
      tpu.yield
    }) : () -> ()
    %mul3A_398 = arith.constant 32 : i32
    %mul3A_399 = arith.muli %mul3A_2, %mul3A_398 : i32
    "tpu.region"() ({
      %run_scoped3A = tpu.sem_alloc : memref<!tpu.dma_semaphore, #tpu.memory_space<semaphore_mem>>
      %dma_start3A_402 = tpu.memref_slice %arg10[%mul3A_399] : memref<524288xf32, #tpu.memory_space<hbm>> -> memref<16384xf32, #tpu.memory_space<hbm>>
      %dma_start3A_403 = tpu.memref_slice %arg10[%mul3A_399] : memref<524288xf32, #tpu.memory_space<hbm>> -> memref<16384xf32, #tpu.memory_space<hbm>>
      tpu.enqueue_dma source(%arg40 : memref<16384xf32, #tpu.memory_space<vmem>>) target(%dma_start3A_403 : memref<16384xf32, #tpu.memory_space<hbm>>) target_semaphore(%run_scoped3A : memref<!tpu.dma_semaphore, #tpu.memory_space<semaphore_mem>>)
      %dma_wait3A_404 = tpu.memref_slice %arg10[%mul3A_399] : memref<524288xf32, #tpu.memory_space<hbm>> -> memref<16384xf32, #tpu.memory_space<hbm>>
      %dma_wait3A_405 = tpu.memref_slice %arg10[%mul3A_399] : memref<524288xf32, #tpu.memory_space<hbm>> -> memref<16384xf32, #tpu.memory_space<hbm>>
      tpu.wait_dma2 semaphore(%run_scoped3A : memref<!tpu.dma_semaphore, #tpu.memory_space<semaphore_mem>>) src(%arg40 : memref<16384xf32, #tpu.memory_space<vmem>>) dst(%dma_wait3A_405 : memref<16384xf32, #tpu.memory_space<hbm>>)
      tpu.yield
    }) : () -> ()
    %mul3A_400 = arith.constant 32 : i32
    %mul3A_401 = arith.muli %mul3A_2, %mul3A_400 : i32
    "tpu.region"() ({
      %run_scoped3A = tpu.sem_alloc : memref<!tpu.dma_semaphore, #tpu.memory_space<semaphore_mem>>
      %dma_start3A_402 = tpu.memref_slice %arg11[%mul3A_401] : memref<524288xf32, #tpu.memory_space<hbm>> -> memref<16384xf32, #tpu.memory_space<hbm>>
      %dma_start3A_403 = tpu.memref_slice %arg11[%mul3A_401] : memref<524288xf32, #tpu.memory_space<hbm>> -> memref<16384xf32, #tpu.memory_space<hbm>>
      tpu.enqueue_dma source(%arg41 : memref<16384xf32, #tpu.memory_space<vmem>>) target(%dma_start3A_403 : memref<16384xf32, #tpu.memory_space<hbm>>) target_semaphore(%run_scoped3A : memref<!tpu.dma_semaphore, #tpu.memory_space<semaphore_mem>>)
      %dma_wait3A_404 = tpu.memref_slice %arg11[%mul3A_401] : memref<524288xf32, #tpu.memory_space<hbm>> -> memref<16384xf32, #tpu.memory_space<hbm>>
      %dma_wait3A_405 = tpu.memref_slice %arg11[%mul3A_401] : memref<524288xf32, #tpu.memory_space<hbm>> -> memref<16384xf32, #tpu.memory_space<hbm>>
      tpu.wait_dma2 semaphore(%run_scoped3A : memref<!tpu.dma_semaphore, #tpu.memory_space<semaphore_mem>>) src(%arg41 : memref<16384xf32, #tpu.memory_space<vmem>>) dst(%dma_wait3A_405 : memref<16384xf32, #tpu.memory_space<hbm>>)
      tpu.yield
    }) : () -> ()
    return
  }
}

module attributes {stable_mosaic.version = 14 : i64} {
  func.func @_mlp_body(%arg0: i32, %arg1: memref<2048x16xf32, #tpu.memory_space<vmem>>, %arg2: memref<2048x16xf32, #tpu.memory_space<vmem>>, %arg3: memref<2048x32xf32, #tpu.memory_space<vmem>>, %arg4: memref<2048x32xf32, #tpu.memory_space<vmem>>, %arg5: memref<32x32xf32, #tpu.memory_space<vmem>>, %arg6: memref<32x32xf32, #tpu.memory_space<vmem>>, %arg7: memref<1x32xf32, #tpu.memory_space<vmem>>, %arg8: memref<32x16xf32, #tpu.memory_space<vmem>>, %arg9: memref<1x16xf32, #tpu.memory_space<vmem>>, %arg10: memref<16x1xf32, #tpu.memory_space<vmem>>, %arg11: memref<16x1xf32, #tpu.memory_space<vmem>>, %arg12: memref<1x1xf32, #tpu.memory_space<vmem>>, %arg13: memref<2048x1xf32, #tpu.memory_space<vmem>>) attributes {dimension_semantics = [#tpu.dimension_semantics<arbitrary>], iteration_bounds = array<i64: 8>, scalar_prefetch = 0 : i64, scratch_operands = 0 : i64, tpu.core_type = #tpu.core_type<tc>, window_params = [{transform_indices = @transform_0, window_bounds = array<i64: 2048, 16>}, {transform_indices = @transform_1, window_bounds = array<i64: 2048, 16>}, {transform_indices = @transform_2, window_bounds = array<i64: 2048, 32>}, {transform_indices = @transform_3, window_bounds = array<i64: 2048, 32>}, {pipeline_mode = #tpu.pipeline_mode<synchronous>, transform_indices = @transform_4, window_bounds = array<i64: 32, 32>}, {pipeline_mode = #tpu.pipeline_mode<synchronous>, transform_indices = @transform_5, window_bounds = array<i64: 32, 32>}, {pipeline_mode = #tpu.pipeline_mode<synchronous>, transform_indices = @transform_6, window_bounds = array<i64: 1, 32>}, {pipeline_mode = #tpu.pipeline_mode<synchronous>, transform_indices = @transform_7, window_bounds = array<i64: 32, 16>}, {pipeline_mode = #tpu.pipeline_mode<synchronous>, transform_indices = @transform_8, window_bounds = array<i64: 1, 16>}, {pipeline_mode = #tpu.pipeline_mode<synchronous>, transform_indices = @transform_9, window_bounds = array<i64: 16, 1>}, {pipeline_mode = #tpu.pipeline_mode<synchronous>, transform_indices = @transform_10, window_bounds = array<i64: 16, 1>}, {pipeline_mode = #tpu.pipeline_mode<synchronous>, transform_indices = @transform_11, window_bounds = array<i64: 1, 1>}, {transform_indices = @transform_12, window_bounds = array<i64: 2048, 1>}]} {
    %get3A = arith.constant 0 : index
    %get3A_0 = arith.constant 0 : index
    %get3A_1 = vector.load %arg1[%get3A, %get3A_0] : memref<2048x16xf32, #tpu.memory_space<vmem>>, vector<2048x16xf32>
    %get3A_2 = arith.constant 0 : index
    %get3A_3 = arith.constant 0 : index
    %get3A_4 = vector.load %arg2[%get3A_2, %get3A_3] : memref<2048x16xf32, #tpu.memory_space<vmem>>, vector<2048x16xf32>
    %get3A_5 = arith.constant 0 : index
    %get3A_6 = arith.constant 0 : index
    %get3A_7 = vector.load %arg3[%get3A_5, %get3A_6] : memref<2048x32xf32, #tpu.memory_space<vmem>>, vector<2048x32xf32>
    %get3A_8 = arith.constant 0 : index
    %get3A_9 = arith.constant 0 : index
    %get3A_10 = vector.load %arg4[%get3A_8, %get3A_9] : memref<2048x32xf32, #tpu.memory_space<vmem>>, vector<2048x32xf32>
    %get3A_11 = arith.constant 0 : index
    %get3A_12 = arith.constant 0 : index
    %get3A_13 = vector.load %arg5[%get3A_11, %get3A_12] : memref<32x32xf32, #tpu.memory_space<vmem>>, vector<32x32xf32>
    %dot_general3A = arith.constant dense<0.000000e+00> : vector<2048x32xf32>
    %dot_general3A_14 = tpu.matmul %get3A_7, %get3A_13, %dot_general3A {dimension_numbers = #tpu.dot_dimension_numbers<[1], [0], [0], [1], [0, 0, 1, 1], [], []>, transpose_lhs_hint = false} : vector<2048x32xf32>, vector<32x32xf32>, vector<2048x32xf32> -> vector<2048x32xf32>
    %get3A_15 = arith.constant 0 : index
    %get3A_16 = arith.constant 0 : index
    %get3A_17 = vector.load %arg6[%get3A_15, %get3A_16] : memref<32x32xf32, #tpu.memory_space<vmem>>, vector<32x32xf32>
    %dot_general3A_18 = arith.constant dense<0.000000e+00> : vector<2048x32xf32>
    %dot_general3A_19 = tpu.matmul %get3A_10, %get3A_17, %dot_general3A_18 {dimension_numbers = #tpu.dot_dimension_numbers<[1], [0], [0], [1], [0, 0, 1, 1], [], []>, transpose_lhs_hint = false} : vector<2048x32xf32>, vector<32x32xf32>, vector<2048x32xf32> -> vector<2048x32xf32>
    %add3A = arith.addf %dot_general3A_14, %dot_general3A_19 : vector<2048x32xf32>
    %get3A_20 = arith.constant 0 : index
    %get3A_21 = arith.constant 0 : index
    %get3A_22 = vector.load %arg7[%get3A_20, %get3A_21] : memref<1x32xf32, #tpu.memory_space<vmem>>, vector<1x32xf32>
    %add3A_23 = vector.broadcast %get3A_22 : vector<1x32xf32> to vector<2048x32xf32>
    %add3A_24 = arith.addf %add3A, %add3A_23 : vector<2048x32xf32>
    %max3A = arith.constant 0.000000e+00 : f32
    %max3A_25 = vector.broadcast %max3A : f32 to vector<2048x32xf32>
    %max3A_26 = arith.maximumf %add3A_24, %max3A_25 : vector<2048x32xf32>
    %get3A_27 = arith.constant 0 : index
    %get3A_28 = arith.constant 0 : index
    %get3A_29 = vector.load %arg8[%get3A_27, %get3A_28] : memref<32x16xf32, #tpu.memory_space<vmem>>, vector<32x16xf32>
    %dot_general3A_30 = arith.constant dense<0.000000e+00> : vector<2048x16xf32>
    %dot_general3A_31 = tpu.matmul %max3A_26, %get3A_29, %dot_general3A_30 {dimension_numbers = #tpu.dot_dimension_numbers<[1], [0], [0], [1], [0, 0, 1, 1], [], []>, transpose_lhs_hint = false} : vector<2048x32xf32>, vector<32x16xf32>, vector<2048x16xf32> -> vector<2048x16xf32>
    %get3A_32 = arith.constant 0 : index
    %get3A_33 = arith.constant 0 : index
    %get3A_34 = vector.load %arg9[%get3A_32, %get3A_33] : memref<1x16xf32, #tpu.memory_space<vmem>>, vector<1x16xf32>
    %add3A_35 = vector.broadcast %get3A_34 : vector<1x16xf32> to vector<2048x16xf32>
    %add3A_36 = arith.addf %dot_general3A_31, %add3A_35 : vector<2048x16xf32>
    %max3A_37 = arith.constant 0.000000e+00 : f32
    %max3A_38 = vector.broadcast %max3A_37 : f32 to vector<2048x16xf32>
    %max3A_39 = arith.maximumf %add3A_36, %max3A_38 : vector<2048x16xf32>
    %mul3A = arith.mulf %get3A_1, %get3A_4 : vector<2048x16xf32>
    %get3A_40 = arith.constant 0 : index
    %get3A_41 = arith.constant 0 : index
    %get3A_42 = vector.load %arg10[%get3A_40, %get3A_41] : memref<16x1xf32, #tpu.memory_space<vmem>>, vector<16x1xf32>
    %dot_general3A_43 = arith.constant dense<0.000000e+00> : vector<2048x1xf32>
    %dot_general3A_44 = tpu.matmul %mul3A, %get3A_42, %dot_general3A_43 {dimension_numbers = #tpu.dot_dimension_numbers<[1], [0], [0], [1], [0, 0, 1, 1], [], []>, transpose_lhs_hint = false} : vector<2048x16xf32>, vector<16x1xf32>, vector<2048x1xf32> -> vector<2048x1xf32>
    %get3A_45 = arith.constant 0 : index
    %get3A_46 = arith.constant 0 : index
    %get3A_47 = vector.load %arg11[%get3A_45, %get3A_46] : memref<16x1xf32, #tpu.memory_space<vmem>>, vector<16x1xf32>
    %dot_general3A_48 = arith.constant dense<0.000000e+00> : vector<2048x1xf32>
    %dot_general3A_49 = tpu.matmul %max3A_39, %get3A_47, %dot_general3A_48 {dimension_numbers = #tpu.dot_dimension_numbers<[1], [0], [0], [1], [0, 0, 1, 1], [], []>, transpose_lhs_hint = false} : vector<2048x16xf32>, vector<16x1xf32>, vector<2048x1xf32> -> vector<2048x1xf32>
    %add3A_50 = arith.addf %dot_general3A_44, %dot_general3A_49 : vector<2048x1xf32>
    %get3A_51 = arith.constant 0 : index
    %get3A_52 = arith.constant 0 : index
    %get3A_53 = vector.load %arg12[%get3A_51, %get3A_52] : memref<1x1xf32, #tpu.memory_space<vmem>>, vector<1x1xf32>
    %add3A_54 = vector.broadcast %get3A_53 : vector<1x1xf32> to vector<2048x1xf32>
    %add3A_55 = arith.addf %add3A_50, %add3A_54 : vector<2048x1xf32>
    %logistic3A = arith.negf %add3A_55 : vector<2048x1xf32>
    %logistic3A_56 = math.exp %logistic3A : vector<2048x1xf32>
    %logistic3A_57 = arith.constant 1.000000e+00 : f32
    %logistic3A_58 = vector.broadcast %logistic3A_57 : f32 to vector<2048x1xf32>
    %logistic3A_59 = arith.addf %logistic3A_58, %logistic3A_56 : vector<2048x1xf32>
    %logistic3A_60 = arith.divf %logistic3A_58, %logistic3A_59 : vector<2048x1xf32>
    %swap3A = arith.constant 0 : index
    %swap3A_61 = arith.constant 0 : index
    %swap3A_62 = vector.load %arg13[%swap3A, %swap3A_61] : memref<2048x1xf32, #tpu.memory_space<vmem>>, vector<2048x1xf32>
    tpu.vector_store %arg13[%swap3A, %swap3A_61], %logistic3A_60 {strides = array<i32>} : memref<2048x1xf32, #tpu.memory_space<vmem>>, vector<2048x1xf32>,
    return
  }
  func.func @transform_0(%arg0: i32) -> (i32, i32) {
    %c0_i32 = arith.constant 0 : i32
    %c0_i32_0 = arith.constant 0 : i32
    return %arg0, %c0_i32 : i32, i32
  }
  func.func @transform_1(%arg0: i32) -> (i32, i32) {
    %c0_i32 = arith.constant 0 : i32
    %c0_i32_0 = arith.constant 0 : i32
    return %arg0, %c0_i32 : i32, i32
  }
  func.func @transform_2(%arg0: i32) -> (i32, i32) {
    %c0_i32 = arith.constant 0 : i32
    %c0_i32_0 = arith.constant 0 : i32
    return %arg0, %c0_i32 : i32, i32
  }
  func.func @transform_3(%arg0: i32) -> (i32, i32) {
    %c0_i32 = arith.constant 0 : i32
    %c0_i32_0 = arith.constant 0 : i32
    return %arg0, %c0_i32 : i32, i32
  }
  func.func @transform_4(%arg0: i32) -> (i32, i32) {
    %c0_i32 = arith.constant 0 : i32
    %c0_i32_0 = arith.constant 0 : i32
    %c0_i32_1 = arith.constant 0 : i32
    return %c0_i32, %c0_i32_0 : i32, i32
  }
  func.func @transform_5(%arg0: i32) -> (i32, i32) {
    %c0_i32 = arith.constant 0 : i32
    %c0_i32_0 = arith.constant 0 : i32
    %c0_i32_1 = arith.constant 0 : i32
    return %c0_i32, %c0_i32_0 : i32, i32
  }
  func.func @transform_6(%arg0: i32) -> (i32, i32) {
    %c0_i32 = arith.constant 0 : i32
    %c0_i32_0 = arith.constant 0 : i32
    %c0_i32_1 = arith.constant 0 : i32
    return %c0_i32, %c0_i32_0 : i32, i32
  }
  func.func @transform_7(%arg0: i32) -> (i32, i32) {
    %c0_i32 = arith.constant 0 : i32
    %c0_i32_0 = arith.constant 0 : i32
    %c0_i32_1 = arith.constant 0 : i32
    return %c0_i32, %c0_i32_0 : i32, i32
  }
  func.func @transform_8(%arg0: i32) -> (i32, i32) {
    %c0_i32 = arith.constant 0 : i32
    %c0_i32_0 = arith.constant 0 : i32
    %c0_i32_1 = arith.constant 0 : i32
    return %c0_i32, %c0_i32_0 : i32, i32
  }
  func.func @transform_9(%arg0: i32) -> (i32, i32) {
    %c0_i32 = arith.constant 0 : i32
    %c0_i32_0 = arith.constant 0 : i32
    %c0_i32_1 = arith.constant 0 : i32
    return %c0_i32, %c0_i32_0 : i32, i32
  }
  func.func @transform_10(%arg0: i32) -> (i32, i32) {
    %c0_i32 = arith.constant 0 : i32
    %c0_i32_0 = arith.constant 0 : i32
    %c0_i32_1 = arith.constant 0 : i32
    return %c0_i32, %c0_i32_0 : i32, i32
  }
  func.func @transform_11(%arg0: i32) -> (i32, i32) {
    %c0_i32 = arith.constant 0 : i32
    %c0_i32_0 = arith.constant 0 : i32
    %c0_i32_1 = arith.constant 0 : i32
    return %c0_i32, %c0_i32_0 : i32, i32
  }
  func.func @transform_12(%arg0: i32) -> (i32, i32) {
    %c0_i32 = arith.constant 0 : i32
    %c0_i32_0 = arith.constant 0 : i32
    return %arg0, %c0_i32 : i32, i32
  }
}

</mosaic_0001>

<sc_bundles>
// kernel: kernel.4.cloned.1.call-start
scs
__scs_entry_jumppad:
0x0: {  	(pc) =	sbr.rel $0x88, $3  }
0x1: {  	(tag) =	ssettag $0x0;
	lr =	simm.s32 $0x1  }
0x2: {  	[smem:$0x3F95] =	sst lr;
	_ =	strace $0xD0000000  }
0x3: {  	_ = 	snop  }
0x4: {  	_ = 	snop  }
0x5: {  	_ = 	snop  }
0x6: {  	_ = 	snop  }
0x7: {  	_ = 	snop  }
__scs_overlays_trampoline_lowered:
0x8: {  	[smem:$0x3FA4] =	sst s0  }
0x9: {  	[smem:$0x3FA5] =	sst s1  }
0xa: {  	[smem:$0x3FA6] =	sst s2  }
0xb: {  	[smem:$0x3FA7] =	sst s3  }
0xc: {  	[smem:$0x3FA8] =	sst s4  }
0xd: {  	[smem:$0x3FA9] =	sst s5  }
0xe: {  	[smem:$0x3FAA] =	sst s6  }
0xf: {  	[smem:$0x3FAB] =	sst s7  }
0x10: {  	[smem:$0x3FAC] =	sst s8  }
0x11: {  	[smem:$0x3FAD] =	sst s9;
	s0 =	simm.s32 @!p0 $0x0  }
0x12: {  	s1 =	sld [smem:$0x3F93];
	s0 =	simm.s32 @p0 $0x1  }
0x13: {  	[smem:$0x3FAE] =	sst s0;
	s0 =	simm.s32 @!p1 $0x0  }
0x14: {  	s2 =	sld [smem:$0x3F92];
	s0 =	simm.s32 @p1 $0x1  }
0x15: {  	[smem:$0x3FAF] =	sst s0;
	s0 =	simm.s32 @!p2 $0x0  }
0x16: {  	s3 =	sld [smem:$0x3FDB];
	s0 =	simm.s32 @p2 $0x1  }
0x17: {  	s4 =	simm.s32 $0x1BF5;
	[smem:$0x3FB1] =	sst s0  }
0x18: {  	s0 =	sld [smem:$0x3F94];
	_ =	swait.ge [sflag:s4], $0x0  }
0x19: {  	s7 =	sld [smem:$0x3F95]  }
0x1a: {  	s8 =	sadd.s32 $0xFFFFE003, lr  }
0x1b: {  	s9 =	sadd.s32 $0xFFFFFEF7, lr;
	s5 =	simm.s32 $0xFFFFFFFF;
	p2 =	slt.u32 s8, $0xFFFFF086  }
0x1c: {  	p1 =	slt.u32 s9, $0xF7A;
	s5 =	simm.s32 @!p2 $0x0  }
0x1d: {  	s5 =	simm.s32 @p1 $0x1;
	p0 =	seq.s32 s7, s2  }
0x1e: {  	s7 =	smul.u32 @!p0 $0xF7A, s2;
	p2 =	seq.s32 @!p0 s5, $0x0  }
0x1f: {  	s9 =	smul.u32 $0xF7A, s1;
	s8 =	simm.s32 @!p0 $0x1BF5;
	p2 =	por !p2, p0  }
0x20: {  	[sflag:s8] =	ssyncset.s32 @!p0 $0xFFFFF086;
	s6 =	sadd.s32 @!p0 s3, s7;
	s7 =	simm.s32 @!p0 $0x108  }
0x21: {  	s3 =	sadd.s32 s3, s9;
	s6 =	sadd.s32 @!p0 $0x88, s6;
	s7 =	simm.s32 @p2 $0x1082  }
0x22: {  	[simem:s7], [sflag:s8] =	dma.local @!p0 [hbm:s6], $0xF7A  }
0x23: {  	s9 =	sor.u32 $0xD0000000, s2;
	s6 =	simm.s32 $0x108;
	_ =	swait.ge @!p0 [sflag:s8], $0x0  }
0x24: {  	s3 =	sadd.s32 $0x88, s3;
	s6 =	simm.s32 @!p1 $0x1082;
	[sflag:s4] =	ssyncset.s32 $0xFFFFF086  }
0x25: {  	[simem:s6], [sflag:s4] =	dma.local [hbm:s3], $0xF7A  }
0x26: {  	[smem:$0x3F95] =	sst s1;
	(tag) =	ssettag s2;
	_ =	strace s9  }
0x27: {  	s1 =	sld [smem:$0x3FA5]  }
0x28: {  	s2 =	sld [smem:$0x3FA6]  }
0x29: {  	s4 =	sld [smem:$0x3FA8]  }
0x2a: {  	p0 =	seq.s32 s5, $0x0;
	s5 =	sld [smem:$0x3FA9]  }
0x2b: {  	s6 =	sld [smem:$0x3FAA]  }
0x2c: {  	s7 =	sld [smem:$0x3FAB]  }
0x2d: {  	s3 =	simm.s32 $0x108;
	s8 =	sld [smem:$0x3FAC]  }
0x2e: {  	s3 =	simm.s32 @!p0 $0x1082;
	s9 =	sld [smem:$0x3FAD]  }
0x2f: {  	lr =	sadd.s32 s0, s3;
	s0 =	sld [smem:$0x3FA4]  }
0x30: {  	s3 =	sld [smem:$0x3FA7]  }
0x31: {  	[smem:$0x3FB0] =	sst s10  }
0x32: {  	s10 =	sld [smem:$0x3FAE];
	_ =	sdelay $0x3  }
0x33: {  	p0 =	seq.s32 s10, $0x1;
	s10 =	sld [smem:$0x3FB0];
	_ =	sdelay $0x3  }
0x34: {  	[smem:$0x3FB0] =	sst s10  }
0x35: {  	s10 =	sld [smem:$0x3FAF];
	_ =	sdelay $0x3  }
0x36: {  	p1 =	seq.s32 s10, $0x1;
	s10 =	sld [smem:$0x3FB0];
	_ =	sdelay $0x3  }
0x37: {  	[smem:$0x3FB0] =	sst s10  }
0x38: {  	s10 =	sld [smem:$0x3FB1]  }
0x39: {  	_ = 	snop;
	(pc) =	sbr.ind lr, $3  }
0x3a: {  	_ = 	snop  }
0x3b: {  	_ = 	snop  }
0x3c: {  	p2 =	seq.s32 s10, $0x1;
	s10 =	sld [smem:$0x3FB0]  }
0x3d: {  	_ =	shalt  }
0x3e: {  	_ =	shalt  }
0x3f: {  	_ =	shalt  }
0x40: {  	_ =	shalt  }
0x41: {  	_ =	shalt  }
0x42: {  	_ =	shalt  }
0x43: {  	_ =	shalt  }
0x44: {  	_ =	shalt  }
0x45: {  	_ =	shalt  }
0x46: {  	_ =	shalt  }
0x47: {  	_ =	shalt  }
0x48: {  	_ =	shalt  }
0x49: {  	_ =	shalt  }
0x4a: {  	_ =	shalt  }
0x4b: {  	_ =	shalt  }
0x4c: {  	_ =	shalt  }
0x4d: {  	_ =	shalt  }
0x4e: {  	_ =	shalt  }
0x4f: {  	_ =	shalt  }
0x50: {  	_ =	shalt  }
0x51: {  	_ =	shalt  }
0x52: {  	_ =	shalt  }
0x53: {  	_ =	shalt  }
0x54: {  	_ =	shalt  }
0x55: {  	_ =	shalt  }
0x56: {  	_ =	shalt  }
0x57: {  	_ =	shalt  }
0x58: {  	_ =	shalt  }
0x59: {  	_ =	shalt  }
0x5a: {  	_ =	shalt  }
0x5b: {  	_ =	shalt  }
0x5c: {  	_ =	shalt  }
0x5d: {  	_ =	shalt  }
0x5e: {  	_ =	shalt  }
0x5f: {  	_ =	shalt  }
0x60: {  	_ =	shalt  }
0x61: {  	_ =	shalt  }
0x62: {  	_ =	shalt  }
0x63: {  	_ =	shalt  }
0x64: {  	_ =	shalt  }
0x65: {  	_ =	shalt  }
0x66: {  	_ =	shalt  }
0x67: {  	_ =	shalt  }
0x68: {  	_ =	shalt  }
0x69: {  	_ =	shalt  }
0x6a: {  	_ =	shalt  }
0x6b: {  	_ =	shalt  }
0x6c: {  	_ =	shalt  }
0x6d: {  	_ =	shalt  }
0x6e: {  	_ =	shalt  }
0x6f: {  	_ =	shalt  }
0x70: {  	_ =	shalt  }
0x71: {  	_ =	shalt  }
0x72: {  	_ =	shalt  }
0x73: {  	_ =	shalt  }
0x74: {  	_ =	shalt  }
0x75: {  	_ =	shalt  }
0x76: {  	_ =	shalt  }
0x77: {  	_ =	shalt  }
0x78: {  	_ =	shalt  }
0x79: {  	_ =	shalt  }
0x7a: {  	_ =	shalt  }
0x7b: {  	_ =	shalt  }
0x7c: {  	_ =	shalt  }
0x7d: {  	_ =	shalt  }
0x7e: {  	_ =	shalt  }
0x7f: {  	_ =	shalt  }
0x80: {  	_ =	shalt  }
0x81: {  	_ =	shalt  }
0x82: {  	_ =	shalt  }
0x83: {  	_ =	shalt  }
0x84: {  	_ =	shalt  }
0x85: {  	_ =	shalt  }
0x86: {  	_ =	shalt  }
0x87: {  	_ =	shalt  }
.Lfunc_end0:
.L_simem_size_0:
called_computation_lowered:
.L_overlay_start_0:
0x88: {  	s2 =	sld [smem:$0x3FD9]  }
0x89: {  	s3 =	sld [smem:$0x3FFE];
	_ =	sdelay $0x1  }
0x8a: {  	s1 =	srdreg.scid  }
0x8b: {  	s0 =	sand.u32 $0x1, s1  }
0x8c: {  	s17 =	sshll.u32 s0, $0xA;
	s2 =	sadd.s32 s3, s2  }
0x8d: {  	s2 =	sadd.s32 s2, s17  }
0x8e: {  	[smem:$0x3FBC] =	sst s2  }
0x8f: {  	_ = 	snop  }
0x90: {  	s2 =	sld [smem:$0x3FC7]  }
0x91: {  	s18 =	sld [smem:$0x3FC6]  }
0x92: {  	s4 =	sld [smem:$0x3FC5]  }
0x93: {  	s5 =	sld [smem:$0x3FC4]  }
0x94: {  	s6 =	sld [smem:$0x3FD0];
	(tm) =	ssettm $0x1  }
0x95: {  	s7 =	sld [smem:$0x3FFB];
	_ =	sdelay $0x3  }
0x96: {  	_ =	strace s7  }
0x97: {  	s7 =	sld [smem:$0x3FFC];
	_ =	sdelay $0x3  }
0x98: {  	_ =	strace s7  }
0x99: {  	s7 =	sld [smem:$0x3FFD];
	_ =	sdelay $0x3  }
0x9a: {  	_ =	strace s7  }
0x9b: {  	_ =	strace $0x8FFFFFFF  }
0x9c: {  	s19 =	sld [smem:$0x3FDB];
	_ =	sdelay $0x1  }
0x9d: {  	s8 =	simm.s32 $_scs_section_size  }
0x9e: {  	s9 =	simm.s32 $_size__tile_overlayer_lowered;
	s10 =	simm.s32 $_tile_overlayer_lowered  }
0x9f: {  	s22 =	simm.s32 $0x1BFF;
	s21 =	sshll.u32 s10, $0x1;
	s7 =	sadd.s32 s8, s19  }
0xa0: {  	s11 =	simm.s32 $0x0;
	s20 =	sshll.u32 s9, $0x1;
	s9 =	sadd.s32 s21, s7  }
0xa1: {  	[timem:s11], [sflag:s22] =	dma.local [hbm:s9], s20  }
0xa2: {  	_ =	swait.ge [sflag:s22], s20  }
0xa3: {  	s8 =	ssub.s32 $0x0, s20;
	[sflag:s22] =	ssyncset.done $0x0  }
0xa4: {  	[sflag:s22] =	ssyncadd.s32 s8;
	_ =	sdelay $0x1  }
0xa5: {  	s23 =	simm.s32 $0x1B8B  }
0xa6: {  	_ =	swait.ge [sflag:s23], $0x1  }
0xa7: {  	[sflag:s23] =	ssyncset.done $0x0  }
0xa8: {  	s25 =	simm.s32 $0x1B8E;
	s24 =	sld [smem:$0x3FFE];
	[sflag:s23] =	ssyncadd.s32 $0xFFFFFFFF  }
0xa9: {  	s26 =	simm.s32 $execute0_lowered;
	[smem:$0x3FD2] =	sst s25  }
0xaa: {  	s9 =	sshll.u32 s26, $0x1;
	_ =	strace $0x80000046;
	[dreg:$0x1] =	wrdreg $0xFFFFFFFF  }
0xab: {  	s28 =	simm.s32 $_size_execute0_lowered;
	s7 =	sadd.s32 s7, s9;
	[dreg:$0x0] =	wrdreg $0x0  }
0xac: {  	s9 =	sshll.u32 s28, $0x1;
	[dreg:$0x2] =	wrdreg s7  }
0xad: {  	[dreg:$0x3] =	wrdreg s9  }
0xae: {  	[dreg:$0x4] =	wrdreg $0xC0  }
0xaf: {  	_ =	task [dreg:s11], $0x5FFFF  }
0xb0: {  	[dreg:$0x1] =	wrdreg $0xFFFFFFFF  }
0xb1: {  	[dreg:$0x0] =	wrdreg $0x60  }
0xb2: {  	[dreg:$0x2] =	wrdreg s6  }
0xb3: {  	[dreg:$0x3] =	wrdreg s24  }
0xb4: {  	[dreg:$0x4] =	wrdreg s2  }
0xb5: {  	[dreg:$0x5] =	wrdreg s18  }
0xb6: {  	[dreg:$0x6] =	wrdreg s4  }
0xb7: {  	[dreg:$0x7] =	wrdreg s5  }
0xb8: {  	[dreg:$0x8] =	wrdreg $0x9  }
0xb9: {  	_ =	task.clear_ibuf [dreg:s11], $0x9FFFF;
	_ =	strace $0x90000046  }
0xba: {  	s29 =	simm.s32 $0x9;
	_ =	strace $0x80000048  }
0xbb: {  	_ =	swait.ge [sflag:s29], $0x1  }
0xbc: {  	[sflag:s29] =	ssyncadd.s32 $0xFFFFFFFF  }
0xbd: {  	_ =	strace $0x90000048  }
0xbe: {  	_ =	sfence  }
0xbf: {  	s30 =	sld [smem:$0x0];
	_ =	sdelay $0x2  }
0xc0: {  	s31 =	sshll.u32 s1, $0xD;
	s1 =	sshrl.u32 s1, $0x2  }
0xc1: {  	s3 =	sand.u32 $0x4000, s31;
	s1 =	sadd.s32 s1, s30  }
0xc2: {  	s0 =	sor.u32 s3, s0;
	s1 =	sshll.u32 s1, $0x11  }
0xc3: {  	s0 =	sor.u32 s1, s0  }
0xc4: {  	s0 =	sadd.s32 $0x8F2B, s0  }
0xc5: {  	[sflag:s0] =	ssyncadd.remote.s32 $0x1  }
0xc6: {  	_ =	sfence.sel $0xFFFF  }
0xc7: {  	[dreg:$0x0] =	wrdreg $0xFFFFFFFF;
	(pc) =	sbr.abs _section_cstart, $3  }
0xc8: {  	[dreg:$0x1] =	wrdreg $0xFFFFFFFF  }
0xc9: {  	_ =	task.clear_ibuf [dreg:s11], $0x2FFFF;
	_ =	strace $0x9FFFFFFF  }
0xca: {  	(tm) =	ssettm $0x7FFFFFFF  }
0xcb: {  	_ =	shalt  }
tec
execute0_lowered:
.L_overlay_start_1:
0x0: {  	(tag) =	ssettag $0x1  }
0x1: {  	s0 =	rddreg [dreg:$0x0]  }
0x2: {  	s3 =	rddreg [dreg:$0x1]  }
0x3: {  	s1 =	rddreg [dreg:$0x2];
	s4 =	srdreg.scid  }
0x4: {  	s8 =	stileid.u32;
	s2 =	rddreg [dreg:$0x3]  }
0x5: {  	s11 =	simm.s32 $0x0;
	s6 =	sand.u32 $0x1, s4;
	s4 =	rddreg [dreg:$0x4]  }
0x6: {  	s5 =	sshll.u32 s8, $0x1;
	s8 =	sshll.u32 s8, $0x7;
	[smem:$0x7FF] =	sst s11  }
0x7: {  	s7 =	sor.u32 s6, s5;
	s5 =	rddreg [dreg:$0x5];
	_ =	strace $0x80000047  }
0x8: {  	s6 =	ssub.s32 $0x2, s6;
	s9 =	sshll.u32 s7, $0x4;
	s10 =	sshll.u32 s7, $0xA  }
0x9: {  	s7 =	sshll.u32 s7, $0xB;
	s24 =	sshrl.u32 s6, $0x1;
	s10 =	sadd.s32 s10, s3  }
0xa: {  	s8 =	sor.u32 s8, s9;
	s6 =	ssub.s32 s6, s24;
	s26 =	sadd.s32 $0x2000, s10  }
0xb: {  	s8 =	sand.u32 $0x670, s8;
	s28 =	sadd.s32 $0xA000, s10;
	[dreg:$0x9] =	wrdreg s26  }
0xc: {  	s31 =	smax.u32 s6, $0x1;
	s23 =	sadd.s32 s8, s3;
	[dreg:$0xa] =	wrdreg s28  }
.Ltmp0:
0xd: {  	s0 =	sadd.s32 s0, s8;
	[dreg:$0xd] =	wrdreg s31;
	(pc) =	sbr.rel .LBB2_1-.Ltmp0, $4  }
0xe: {  	v0 =	vlaneseq.u32;
	s3 =	sadd.s32 s7, s3;
	[dreg:$0x7] =	wrdreg s0;
	s25 =	sadd.s32 $0x1800, s23  }
0xf: {  	s15 =	simm.s32 $0x400;
	v1 =	vmul.u32 $0x80, v0;
	s29 =	sadd.s32 $0x12000, s3;
	[dreg:$0x8] =	wrdreg s25  }
0x10: {  	s18 =	simm.s32 $0x7A1400;
	vm0 =	vmmov $0x1;
	vm1 =	vcmask $0x308;
	vm2 =	vcmask $0x70C;
	s30 =	sadd.s32 $0x22000, s3;
	[dreg:$0xb] =	wrdreg s29  }
0x11: {  	vm3 =	vcmask $0xB10;
	vm4 =	vcmask $0xF14;
	v2 =	vor.u32 $0x800, v1;
	s6 =	simm.s32 $0x7;
	s3 =	simm.s32 $0x0;
	[dreg:$0xc] =	wrdreg s30  }
.LBB2_6:
0x12: {  	s0 =	simm.s32 $0x3  }
0x13: {  	_ =	swait.ge [sflag:s0], $0x800  }
0x14: {  	[sflag:s0] =	ssyncset.done $0x0  }
0x15: {  	[sflag:s0] =	ssyncadd.s32 $0xFFFFF800  }
0x16: {  	_ =	swait.ge [sflag:s0], $0x800  }
0x17: {  	[sflag:s0] =	ssyncset.done $0x0  }
0x18: {  	[sflag:s0] =	ssyncadd.s32 $0xFFFFF800  }
0x19: {  	_ =	swait.ge [sflag:s0], $0x1000  }
0x1a: {  	[sflag:s0] =	ssyncset.done $0x0  }
0x1b: {  	[sflag:s0] =	ssyncadd.s32 $0xFFFFF000  }
0x1c: {  	_ =	swait.ge [sflag:s0], $0x1000  }
0x1d: {  	[sflag:s0] =	ssyncset.done $0x0  }
0x1e: {  	s17 =	simm.s32 $0x4;
	[sflag:s0] =	ssyncadd.s32 $0xFFFFF000  }
0x1f: {  	_ =	swait.ge [sflag:s17], $0x800  }
0x20: {  	[sflag:s17] =	ssyncset.done $0x0  }
0x21: {  	[sflag:s17] =	ssyncadd.s32 $0xFFFFF800  }
0x22: {  	_ =	swait.ge [sflag:s17], $0x800  }
0x23: {  	[sflag:s17] =	ssyncset.done $0x0  }
0x24: {  	[sflag:s17] =	ssyncadd.s32 $0xFFFFF800  }
0x25: {  	_ =	swait.ge [sflag:s17], $0x1000  }
0x26: {  	[sflag:s17] =	ssyncset.done $0x0  }
0x27: {  	[sflag:s17] =	ssyncadd.s32 $0xFFFFF000  }
0x28: {  	_ =	swait.ge [sflag:s17], $0x1000  }
0x29: {  	[sflag:s17] =	ssyncset.done $0x0  }
0x2a: {  	s19 =	simm.s32 $0x5;
	[sflag:s17] =	ssyncadd.s32 $0xFFFFF000  }
0x2b: {  	_ =	swait.ge [sflag:s19], $0x800  }
0x2c: {  	[sflag:s19] =	ssyncset.done $0x0  }
0x2d: {  	[sflag:s19] =	ssyncadd.s32 $0xFFFFF800  }
0x2e: {  	_ =	swait.ge [sflag:s19], $0x800  }
0x2f: {  	[sflag:s19] =	ssyncset.done $0x0  }
0x30: {  	[sflag:s19] =	ssyncadd.s32 $0xFFFFF800  }
0x31: {  	_ =	swait.ge [sflag:s19], $0x1000  }
0x32: {  	[sflag:s19] =	ssyncset.done $0x0  }
0x33: {  	[sflag:s19] =	ssyncadd.s32 $0xFFFFF000  }
0x34: {  	_ =	swait.ge [sflag:s19], $0x1000  }
0x35: {  	[sflag:s19] =	ssyncset.done $0x0  }
0x36: {  	s20 =	simm.s32 $0x6;
	[sflag:s19] =	ssyncadd.s32 $0xFFFFF000  }
0x37: {  	_ =	swait.ge [sflag:s20], $0x800  }
0x38: {  	[sflag:s20] =	ssyncset.done $0x0  }
0x39: {  	[sflag:s20] =	ssyncadd.s32 $0xFFFFF800  }
0x3a: {  	_ =	swait.ge [sflag:s20], $0x800  }
0x3b: {  	[sflag:s20] =	ssyncset.done $0x0  }
0x3c: {  	[sflag:s20] =	ssyncadd.s32 $0xFFFFF800  }
0x3d: {  	_ =	swait.ge [sflag:s20], $0x1000  }
0x3e: {  	[sflag:s20] =	ssyncset.done $0x0  }
0x3f: {  	[sflag:s20] =	ssyncadd.s32 $0xFFFFF000  }
0x40: {  	_ =	swait.ge [sflag:s20], $0x1000  }
0x41: {  	[sflag:s20] =	ssyncset.done $0x0  }
0x42: {  	s21 =	simm.s32 $0x1;
	[sflag:s20] =	ssyncadd.s32 $0xFFFFF000  }
0x43: {  	_ =	swait.ge [sflag:s21], $0x800  }
0x44: {  	[sflag:s21] =	ssyncset.done $0x0  }
0x45: {  	[sflag:s21] =	ssyncadd.s32 $0xFFFFF800  }
0x46: {  	_ =	swait.ge [sflag:s21], $0x800  }
0x47: {  	[sflag:s21] =	ssyncset.done $0x0  }
0x48: {  	[sflag:s21] =	ssyncadd.s32 $0xFFFFF800  }
0x49: {  	_ =	swait.ge [sflag:s21], $0x1000  }
0x4a: {  	[sflag:s21] =	ssyncset.done $0x0  }
0x4b: {  	[sflag:s21] =	ssyncadd.s32 $0xFFFFF000  }
0x4c: {  	_ =	swait.ge [sflag:s21], $0x1000  }
0x4d: {  	s11 =	simm.s32 $0x0;
	s3 =	simm.s32 $0x12400;
	[sflag:s21] =	ssyncset.done $0x0  }
0x4e: {  	s6 =	simm.s32 $0x7;
	s22 =	rddreg [dreg:$0x9];
	[sflag:s21] =	ssyncadd.s32 $0xFFFFF000  }
0x4f: {  	[hbm4b:s22+s11] =	stream.linear.scatter [tilespmem:s3], [sflag:$0x7], $0x2000, $0x38;
	[tilespmem:$0x1E400] =	vst v63  }
0x50: {  	_ =	swait.ge [sflag:s6], $0x2000  }
0x51: {  	[sflag:s6] =	ssyncset.done $0x0  }
0x52: {  	s24 =	simm.s32 $0x14400;
	s23 =	rddreg [dreg:$0xa];
	[sflag:s6] =	ssyncadd.s32 $0xFFFFE000  }
0x53: {  	[hbm4b:s23+s11] =	stream.linear.scatter [tilespmem:s24], [sflag:$0x7], $0x2000, $0x38;
	[tilespmem:$0x1E400] =	vst v63  }
0x54: {  	_ =	swait.ge [sflag:s6], $0x2000  }
0x55: {  	[sflag:s6] =	ssyncset.done $0x0  }
0x56: {  	s26 =	simm.s32 $0x16400;
	s25 =	rddreg [dreg:$0xb];
	[sflag:s6] =	ssyncadd.s32 $0xFFFFE000  }
0x57: {  	[hbm4b:s25+s11] =	stream.linear.scatter [tilespmem:s26], [sflag:$0x7], $0x4000, $0x38;
	[tilespmem:$0x1E400] =	vst v63  }
0x58: {  	_ =	swait.ge [sflag:s6], $0x4000  }
0x59: {  	[sflag:s6] =	ssyncset.done $0x0  }
0x5a: {  	s29 =	simm.s32 $0x1A400;
	s28 =	rddreg [dreg:$0xc];
	[sflag:s6] =	ssyncadd.s32 $0xFFFFC000  }
0x5b: {  	[hbm4b:s28+s11] =	stream.linear.scatter [tilespmem:s29], [sflag:$0x7], $0x4000, $0x38;
	[tilespmem:$0x1E400] =	vst v63  }
0x5c: {  	_ =	swait.ge [sflag:s6], $0x4000  }
0x5d: {  	s30 =	rddreg [dreg:$0xe]  }
0x5e: {  	s31 =	rddreg [dreg:$0xd];
	s3 =	sadd.s32 $0x1, s30  }
0x5f: {  	p0 =	sne.s32 s3, s31  }
.Ltmp1:
0x60: {  	_ = 	snop;
	(pc) =	sbr.rel @!p0 .LBB2_7-.Ltmp1, $3  }
0x61: {  	_ =	sdelay $0x1  }
0x62: {  	[sflag:s6] =	ssyncset.done $0x0  }
0x63: {  	[sflag:s6] =	ssyncadd.s32 $0xFFFFC000  }
.LBB2_1:
0x64: {  	[dreg:$0xe] =	wrdreg s3  }
0x65: {  	s0 =	rddreg [dreg:$0x7];
	s25 =	simm.s32 $0x80  }
0x66: {  	[tilespmem:s11], [sflag:$0x7] =	stream.strided.gather [hbm4b:s0+s25], $0x200, s15, s25, $0x38;
	[tilespmem:$0x1E400] =	vst v63  }
0x67: {  	_ =	swait.ge [sflag:s6], $0x200  }
0x68: {  	[sflag:s6] =	ssyncset.done $0x0  }
0x69: {  	s7 =	simm.s32 $0x200;
	s26 =	rddreg [dreg:$0x8];
	[sflag:s6] =	ssyncadd.s32 $0xFFFFFE00  }
0x6a: {  	[tilespmem:s7], [sflag:$0x7] =	stream.strided.gather [hbm4b:s26+s25], $0x200, s15, s25, $0x38;
	[tilespmem:$0x1E400] =	vst v63  }
0x6b: {  	_ =	swait.ge [sflag:s6], $0x200  }
0x6c: {  	[sflag:s6] =	ssyncset.done $0x0  }
0x6d: {  	[sflag:s6] =	ssyncadd.s32 $0xFFFFFE00  }
0x6e: {  	v3 =	vld [tilespmem:$0x0];
	_ =	sdelay $0x1  }
0x6f: {  	v4 =	vld [tilespmem:$0x200];
	_ =	sdelay $0x2  }
0x70: {  	v3 =	vnsel vm0, $0xFFFFFFFF, v3  }
0x71: {  	v3 =	vxor.u32 $0x80000000, v3  }
0x72: {  	(xrf0) =	vmax.scan.msk.u32 $0xffff, v3;
	v3 =	vnsel vm0, $0xFFFFFFFF, v4  }
0x73: {  	v3 =	vxor.u32 $0x80000000, v3  }
0x74: {  	(xrf0) =	vmax.scan.msk.u32 $0xffff, v3;
	_ =	sdelay $0x3  }
0x75: {  	v3, _, _ =	vpop (xrf0)  }
0x76: {  	(v2sf) =	vpush v3, $0xF  }
0x77: {  	v3, _, _ =	vpop (xrf0)  }
0x78: {  	(v2sf) =	vpush v3, $0xF;
	_ =	sdelay $0xc  }
0x79: {  	s21 =	spop (v2sf)  }
0x7a: {  	s28 =	sand.u32 $0xFFFFF80, s21  }
0x7b: {  	s20 =	spop (v2sf);
	s7 =	sadd.s32 s1, s28  }
0x7c: {  	[tilespmem:s15], [sflag:$0x1] =	stream.strided.gather [hbm4b:s7+s15], $0x800, s18, s15, $0x38;
	[tilespmem:$0x1E400] =	vst v63  }
0x7d: {  	s8 =	sand.u32 $0xFFFFF80, s20  }
0x7e: {  	s10 =	simm.s32 $0xC00;
	s9 =	sadd.s32 s2, s8  }
0x7f: {  	[tilespmem:s10], [sflag:$0x1] =	stream.strided.gather [hbm4b:s9+s15], $0x800, s18, s15, $0x38;
	[tilespmem:$0x1E400] =	vst v63  }
0x80: {  	s11 =	simm.s32 $0x1400;
	s3 =	sadd.s32 s4, s28  }
0x81: {  	[tilespmem:s11], [sflag:$0x1] =	stream.strided.gather [hbm4b:s3+s15], $0x1000, s18, s15, $0x38;
	[tilespmem:$0x1E400] =	vst v63  }
0x82: {  	s13 =	simm.s32 $0x2400;
	s12 =	sadd.s32 s5, s8  }
0x83: {  	[tilespmem:s13], [sflag:$0x1] =	stream.strided.gather [hbm4b:s12+s15], $0x1000, s18, s15, $0x38;
	[tilespmem:$0x1E400] =	vst v63  }
0x84: {  	v3 =	vld [tilespmem:$0x0];
	_ =	sdelay $0x1  }
0x85: {  	v60 =	vld [tilespmem:$0x200];
	_ =	sdelay $0x2  }
0x86: {  	v3 =	vsel vm1, $0xFFFFFFFF, v3  }
0x87: {  	v3 =	vxor.u32 $0x80000000, v3  }
0x88: {  	(xrf0) =	vmax.scan.msk.u32 $0xffff, v3;
	v3 =	vsel vm1, $0xFFFFFFFF, v60  }
0x89: {  	v3 =	vxor.u32 $0x80000000, v3  }
0x8a: {  	(xrf0) =	vmax.scan.msk.u32 $0xffff, v3;
	_ =	sdelay $0x3  }
0x8b: {  	v3, _, _ =	vpop (xrf0)  }
0x8c: {  	(v2sf) =	vpush v3, $0xF  }
0x8d: {  	v3, _, _ =	vpop (xrf0)  }
0x8e: {  	(v2sf) =	vpush v3, $0xF;
	_ =	sdelay $0xc  }
0x8f: {  	s12 =	spop (v2sf)  }
0x90: {  	s14 =	sand.u32 $0xFFFFF80, s12  }
0x91: {  	s17 =	simm.s32 $0x3400;
	s13 =	spop (v2sf);
	s16 =	sadd.s32 s1, s14  }
0x92: {  	[tilespmem:s17], [sflag:$0x2] =	stream.strided.gather [hbm4b:s16+s15], $0x800, s18, s15, $0x38;
	[tilespmem:$0x1E400] =	vst v63  }
0x93: {  	s19 =	sand.u32 $0xFFFFF80, s13  }
0x94: {  	s23 =	simm.s32 $0x3C00;
	s22 =	sadd.s32 s2, s19  }
0x95: {  	[tilespmem:s23], [sflag:$0x2] =	stream.strided.gather [hbm4b:s22+s15], $0x800, s18, s15, $0x38;
	[tilespmem:$0x1E400] =	vst v63  }
0x96: {  	s24 =	simm.s32 $0x4400;
	s3 =	sadd.s32 s4, s14  }
0x97: {  	[tilespmem:s24], [sflag:$0x2] =	stream.strided.gather [hbm4b:s3+s15], $0x1000, s18, s15, $0x38;
	[tilespmem:$0x1E400] =	vst v63  }
0x98: {  	s26 =	simm.s32 $0x5400;
	s25 =	sadd.s32 s5, s19  }
0x99: {  	[tilespmem:s26], [sflag:$0x2] =	stream.strided.gather [hbm4b:s25+s15], $0x1000, s18, s15, $0x38;
	[tilespmem:$0x1E400] =	vst v63  }
0x9a: {  	v3 =	vld [tilespmem:$0x0];
	_ =	sdelay $0x1  }
0x9b: {  	v61 =	vld [tilespmem:$0x200];
	_ =	sdelay $0x2  }
0x9c: {  	v3 =	vsel vm2, $0xFFFFFFFF, v3  }
0x9d: {  	v3 =	vxor.u32 $0x80000000, v3  }
0x9e: {  	(xrf0) =	vmax.scan.msk.u32 $0xffff, v3;
	v3 =	vsel vm2, $0xFFFFFFFF, v61  }
0x9f: {  	v3 =	vxor.u32 $0x80000000, v3  }
0xa0: {  	(xrf0) =	vmax.scan.msk.u32 $0xffff, v3;
	_ =	sdelay $0x3  }
0xa1: {  	v3, _, _ =	vpop (xrf0)  }
0xa2: {  	(v2sf) =	vpush v3, $0xF  }
0xa3: {  	v3, _, _ =	vpop (xrf0)  }
0xa4: {  	(v2sf) =	vpush v3, $0xF;
	_ =	sdelay $0xc  }
0xa5: {  	s30 =	spop (v2sf)  }
0xa6: {  	s28 =	sand.u32 $0xFFFFF80, s30  }
0xa7: {  	s8 =	simm.s32 $0x6400;
	s31 =	spop (v2sf);
	s7 =	sadd.s32 s1, s28  }
0xa8: {  	[tilespmem:s8], [sflag:$0x3] =	stream.strided.gather [hbm4b:s7+s15], $0x800, s18, s15, $0x38;
	[tilespmem:$0x1E400] =	vst v63  }
0xa9: {  	s9 =	sand.u32 $0xFFFFF80, s31  }
0xaa: {  	s11 =	simm.s32 $0x6C00;
	s10 =	sadd.s32 s2, s9  }
0xab: {  	[tilespmem:s11], [sflag:$0x3] =	stream.strided.gather [hbm4b:s10+s15], $0x800, s18, s15, $0x38;
	[tilespmem:$0x1E400] =	vst v63  }
0xac: {  	s14 =	simm.s32 $0x7400;
	s3 =	sadd.s32 s4, s28  }
0xad: {  	[tilespmem:s14], [sflag:$0x3] =	stream.strided.gather [hbm4b:s3+s15], $0x1000, s18, s15, $0x38;
	[tilespmem:$0x1E400] =	vst v63  }
0xae: {  	s17 =	simm.s32 $0x8400;
	s16 =	sadd.s32 s5, s9  }
0xaf: {  	[tilespmem:s17], [sflag:$0x3] =	stream.strided.gather [hbm4b:s16+s15], $0x1000, s18, s15, $0x38;
	[tilespmem:$0x1E400] =	vst v63  }
0xb0: {  	v3 =	vld [tilespmem:$0x0];
	_ =	sdelay $0x1  }
0xb1: {  	v62 =	vld [tilespmem:$0x200];
	_ =	sdelay $0x2  }
0xb2: {  	v3 =	vsel vm3, $0xFFFFFFFF, v3  }
0xb3: {  	v3 =	vxor.u32 $0x80000000, v3  }
0xb4: {  	(xrf0) =	vmax.scan.msk.u32 $0xffff, v3;
	v3 =	vsel vm3, $0xFFFFFFFF, v62  }
0xb5: {  	v3 =	vxor.u32 $0x80000000, v3  }
0xb6: {  	(xrf0) =	vmax.scan.msk.u32 $0xffff, v3;
	_ =	sdelay $0x3  }
0xb7: {  	v3, _, _ =	vpop (xrf0)  }
0xb8: {  	(v2sf) =	vpush v3, $0xF  }
0xb9: {  	v3, _, _ =	vpop (xrf0)  }
0xba: {  	(v2sf) =	vpush v3, $0xF;
	_ =	sdelay $0xc  }
0xbb: {  	s22 =	spop (v2sf)  }
0xbc: {  	s19 =	sand.u32 $0xFFFFF80, s22  }
0xbd: {  	s24 =	simm.s32 $0x9400;
	s29 =	spop (v2sf);
	s23 =	sadd.s32 s1, s19  }
0xbe: {  	[tilespmem:s24], [sflag:$0x4] =	stream.strided.gather [hbm4b:s23+s15], $0x800, s18, s15, $0x38;
	[tilespmem:$0x1E400] =	vst v63  }
0xbf: {  	s25 =	sand.u32 $0xFFFFF80, s29  }
0xc0: {  	s28 =	simm.s32 $0x9C00;
	s26 =	sadd.s32 s2, s25  }
0xc1: {  	[tilespmem:s28], [sflag:$0x4] =	stream.strided.gather [hbm4b:s26+s15], $0x800, s18, s15, $0x38;
	[tilespmem:$0x1E400] =	vst v63  }
0xc2: {  	s7 =	simm.s32 $0xA400;
	s3 =	sadd.s32 s4, s19  }
0xc3: {  	[tilespmem:s7], [sflag:$0x4] =	stream.strided.gather [hbm4b:s3+s15], $0x1000, s18, s15, $0x38;
	[tilespmem:$0x1E400] =	vst v63  }
0xc4: {  	s9 =	simm.s32 $0xB400;
	s8 =	sadd.s32 s5, s25  }
0xc5: {  	[tilespmem:s9], [sflag:$0x4] =	stream.strided.gather [hbm4b:s8+s15], $0x1000, s18, s15, $0x38;
	[tilespmem:$0x1E400] =	vst v63  }
0xc6: {  	v3 =	vld [tilespmem:$0x0];
	_ =	sdelay $0x1  }
0xc7: {  	v63 =	vld [tilespmem:$0x200];
	_ =	sdelay $0x2  }
0xc8: {  	v3 =	vsel vm4, $0xFFFFFFFF, v3  }
0xc9: {  	v3 =	vxor.u32 $0x80000000, v3  }
0xca: {  	(xrf0) =	vmax.scan.msk.u32 $0xffff, v3;
	v3 =	vsel vm4, $0xFFFFFFFF, v63  }
0xcb: {  	v3 =	vxor.u32 $0x80000000, v3  }
0xcc: {  	(xrf0) =	vmax.scan.msk.u32 $0xffff, v3;
	_ =	sdelay $0x3  }
0xcd: {  	v3, _, _ =	vpop (xrf0)  }
0xce: {  	(v2sf) =	vpush v3, $0xF  }
0xcf: {  	v3, _, _ =	vpop (xrf0)  }
0xd0: {  	(v2sf) =	vpush v3, $0xF;
	_ =	sdelay $0xc  }
0xd1: {  	s17 =	spop (v2sf)  }
0xd2: {  	s10 =	sand.u32 $0xFFFFF80, s17  }
0xd3: {  	s14 =	simm.s32 $0xC400;
	s19 =	spop (v2sf);
	s11 =	sadd.s32 s1, s10  }
0xd4: {  	[tilespmem:s14], [sflag:$0x5] =	stream.strided.gather [hbm4b:s11+s15], $0x800, s18, s15, $0x38;
	[tilespmem:$0x1E400] =	vst v63  }
0xd5: {  	s16 =	sand.u32 $0xFFFFF80, s19  }
0xd6: {  	s24 =	simm.s32 $0xCC00;
	s25 =	simm.s32 $0xD400;
	s23 =	sadd.s32 s2, s16  }
0xd7: {  	[tilespmem:s24], [sflag:$0x5] =	stream.strided.gather [hbm4b:s23+s15], $0x800, s18, s15, $0x38;
	[tilespmem:$0x1E400] =	vst v63  }
.Ltmp2:
0xd8: {  	s28 =	simm.s32 $0xE400;
	s7 =	simm.s32 $0x1A410;
	(pc) =	sbr.rel .LBB2_2-.Ltmp2, $4  }
0xd9: {  	s8 =	simm.s32 $0x16410;
	s9 =	simm.s32 $0x12400;
	s3 =	sadd.s32 s4, s10  }
0xda: {  	[tilespmem:s25], [sflag:$0x5] =	stream.strided.gather [hbm4b:s3+s15], $0x1000, s18, s15, $0x38;
	[tilespmem:$0x1E400] =	vst v63  }
0xdb: {  	s10 =	simm.s32 $0x14400;
	s11 =	simm.s32 $0x0;
	s26 =	sadd.s32 s5, s16  }
0xdc: {  	[tilespmem:s28], [sflag:$0x5] =	stream.strided.gather [hbm4b:s26+s15], $0x1000, s18, s15, $0x38;
	[tilespmem:$0x1E400] =	vst v63  }
.LBB2_4:
0xdd: {  	p0 =	seq.s32 s26, $0x3  }
0xde: {  	s0 =	simm.s32 @p0 $0x400;
	s16 =	simm.s32 @p0 $0x7A1400;
	s28 =	simm.s32 @p0 $0x6400  }
0xdf: {  	[tilespmem:s28], [sflag:$0x3] =	stream.strided.gather @p0 [hbm4b:s25+s0], $0x800, s16, s0, $0x38;
	[tilespmem:$0x1E400] =	vst v63  }
0xe0: {  	s28 =	simm.s32 @p0 $0x6C00  }
0xe1: {  	[tilespmem:s28], [sflag:$0x3] =	stream.strided.gather @p0 [hbm4b:s24+s0], $0x800, s16, s0, $0x38;
	[tilespmem:$0x1E400] =	vst v63  }
0xe2: {  	p2 =	seq.s32 @!p0 s26, $0x4;
	s28 =	simm.s32 @p0 $0x7400  }
0xe3: {  	[tilespmem:s28], [sflag:$0x3] =	stream.strided.gather @p0 [hbm4b:s23+s0], $0x1000, s16, s0, $0x38;
	[tilespmem:$0x1E400] =	vst v63  }
0xe4: {  	p1 =	por !p2, p0;
	s28 =	simm.s32 @p0 $0x8400  }
0xe5: {  	[tilespmem:s28], [sflag:$0x3] =	stream.strided.gather @p0 [hbm4b:s6+s0], $0x1000, s16, s0, $0x38;
	[tilespmem:$0x1E400] =	vst v63  }
0xe6: {  	s26 =	simm.s32 @!p1 $0x9400;
	s0 =	simm.s32 @!p1 $0x400;
	s16 =	simm.s32 @!p1 $0x7A1400  }
0xe7: {  	[tilespmem:s26], [sflag:$0x4] =	stream.strided.gather @!p1 [hbm4b:s25+s0], $0x800, s16, s0, $0x38;
	[tilespmem:$0x1E400] =	vst v63  }
0xe8: {  	s26 =	simm.s32 @!p1 $0x9C00  }
0xe9: {  	[tilespmem:s26], [sflag:$0x4] =	stream.strided.gather @!p1 [hbm4b:s24+s0], $0x800, s16, s0, $0x38;
	[tilespmem:$0x1E400] =	vst v63  }
0xea: {  	s26 =	simm.s32 @!p1 $0xA400  }
0xeb: {  	[tilespmem:s26], [sflag:$0x4] =	stream.strided.gather @!p1 [hbm4b:s23+s0], $0x1000, s16, s0, $0x38;
	[tilespmem:$0x1E400] =	vst v63  }
0xec: {  	p2 =	por p2, p0;
	s26 =	simm.s32 @!p1 $0xB400  }
0xed: {  	[tilespmem:s26], [sflag:$0x4] =	stream.strided.gather @!p1 [hbm4b:s6+s0], $0x1000, s16, s0, $0x38;
	[tilespmem:$0x1E400] =	vst v63  }
0xee: {  	s0 =	simm.s32 @!p2 $0x400;
	s16 =	simm.s32 @!p2 $0x7A1400;
	s26 =	simm.s32 @!p2 $0xC400  }
0xef: {  	[tilespmem:s26], [sflag:$0x5] =	stream.strided.gather @!p2 [hbm4b:s25+s0], $0x800, s16, s0, $0x38;
	[tilespmem:$0x1E400] =	vst v63  }
0xf0: {  	s25 =	simm.s32 @!p2 $0xCC00  }
0xf1: {  	[tilespmem:s25], [sflag:$0x5] =	stream.strided.gather @!p2 [hbm4b:s24+s0], $0x800, s16, s0, $0x38;
	[tilespmem:$0x1E400] =	vst v63  }
0xf2: {  	s24 =	simm.s32 @!p1 $0xD400;
	s25 =	simm.s32 @!p2 $0xD400  }
0xf3: {  	[tilespmem:s25], [sflag:$0x5] =	stream.strided.gather @!p2 [hbm4b:s23+s0], $0x1000, s16, s0, $0x38;
	[tilespmem:$0x1E400] =	vst v63  }
0xf4: {  	s26 =	simm.s32 @!p2 $0xE400;
	s24 =	simm.s32 @p1 $0x10400;
	s25 =	simm.s32 @!p1 $0x5  }
0xf5: {  	s23 =	simm.s32 @!p1 $0xC400;
	s24 =	simm.s32 @p0 $0xA400;
	s25 =	simm.s32 @p1 $0x6  }
0xf6: {  	[tilespmem:s26], [sflag:$0x5] =	stream.strided.gather @!p2 [hbm4b:s6+s0], $0x1000, s16, s0, $0x38;
	[tilespmem:$0x1E400] =	vst v63  }
0xf7: {  	s23 =	simm.s32 @p1 $0xF400;
	s26 =	simm.s32 @!p1 $0xCC00;
	s6 =	simm.s32 @!p1 $0xE400  }
0xf8: {  	s25 =	simm.s32 @p0 $0x4;
	s26 =	simm.s32 @p1 $0xFC00;
	s6 =	simm.s32 @p1 $0x11400  }
0xf9: {  	s23 =	simm.s32 @p0 $0x9400;
	s26 =	simm.s32 @p0 $0x9C00;
	s6 =	simm.s32 @p0 $0xB400  }
.LBB2_5:
0xfa: {  	_ =	swait.ge [sflag:s25], $0x800  }
0xfb: {  	[sflag:s25] =	ssyncset.done $0x0  }
0xfc: {  	[sflag:s25] =	ssyncadd.s32 $0xFFFFF800  }
0xfd: {  	_ =	swait.ge [sflag:s25], $0x800  }
0xfe: {  	[sflag:s25] =	ssyncset.done $0x0  }
0xff: {  	[sflag:s25] =	ssyncadd.s32 $0xFFFFF800  }
0x100: {  	s0 =	sand.u32 $0x7F, s21;
	_ =	swait.ge [sflag:s25], $0x1000  }
0x101: {  	s16 =	sand.u32 $0x7F, s20;
	v3 =	vor.u32 s0, v1;
	[sflag:s25] =	ssyncset.done $0x0  }
0x102: {  	v4 =	vor.u32 s16, v1;
	[sflag:s25] =	ssyncadd.s32 $0xFFFFF000  }
0x103: {  	_ =	swait.ge [sflag:s25], $0x1000  }
0x104: {  	[sflag:s25] =	ssyncset.done $0x0  }
0x105: {  	[sflag:s25] =	ssyncadd.s32 $0xFFFFF000  }
0x106: {  	v5 =	vld.idx.msk [tilespmem:v3+s23+$0x0], $0xffff  }
0x107: {  	v6 =	vld.idx.msk [tilespmem:v4+s26+$0x0], $0xffff;
	_ =	sdelay $0x1  }
0x108: {  	v7 =	vor.u32 s0, v2;
	_ =	sdelay $0x1  }
0x109: {  	v63 =	vor.u32 s16, v2;
	[tilespmem:s9+$0x0] =	vst v5  }
0x10a: {  	[tilespmem:s10+$0x0] =	vst v6  }
0x10b: {  	v3 =	vld.idx.msk [tilespmem:v3+s24+$0x0], $0xffff  }
0x10c: {  	v6 =	vld.idx.msk [tilespmem:v7+s24+$0x0], $0xffff  }
0x10d: {  	s11 =	sadd.s32 $0x1, s11;
	v4 =	vld.idx.msk [tilespmem:v4+s6+$0x0], $0xffff  }
0x10e: {  	p0 =	sne.s32 s11, $0x200;
	v5 =	vld.idx.msk [tilespmem:v63+s6+$0x0], $0xffff  }
.Ltmp3:
0x10f: {  	_ = 	snop;
	(pc) =	sbr.rel @!p0 .LBB2_6-.Ltmp3, $4  }
0x110: {  	[tilespmem:s8+$0xFFFFFFF0] =	vst v3  }
0x111: {  	[tilespmem:s8+$0x0] =	vst v6  }
0x112: {  	s20 =	smov.u32 s14;
	s21 =	smov.u32 s3;
	s9 =	sadd.s32 $0x10, s9;
	[tilespmem:s7+$0xFFFFFFF0] =	vst v4  }
0x113: {  	s10 =	sadd.s32 $0x10, s10;
	s8 =	sadd.s32 $0x20, s8;
	[tilespmem:s7+$0x0] =	vst v5;
	s7 =	sadd.s32 $0x20, s7  }
.LBB2_2:
0x114: {  	s3 =	smin.u32 s11, $0x1FA  }
0x115: {  	s3 =	sadd.s32 $0x5, s3  }
0x116: {  	s6 =	sand.u32 $0x3F0, s3  }
0x117: {  	v3 =	vld [tilespmem:s6+$0x0]  }
0x118: {  	v4 =	vld [tilespmem:s6+$0x200];
	_ =	sdelay $0x1  }
0x119: {  	s3 =	sand.u32 $0xF, s3  }
0x11a: {  	v5 =	vmov s3  }
0x11b: {  	vm5 =	veq.s32 v5, v0;
	v3 =	vxor.u32 $0x80000000, v3  }
0x11c: {  	v4 =	vxor.u32 $0x80000000, v4;
	v3 =	vnsel vm5, $0x7FFFFFFF, v3  }
0x11d: {  	(xrf0) =	vmax.scan.msk.u32 $0xffff, v3;
	v3 =	vnsel vm5, $0x7FFFFFFF, v4  }
0x11e: {  	(xrf0) =	vmax.scan.msk.u32 $0xffff, v3;
	_ =	sdelay $0x4  }
0x11f: {  	v3, _, _ =	vpop (xrf0)  }
0x120: {  	(v2sf) =	vpush v3, $0xF;
	v3, _, _ =	vpop (xrf0)  }
0x121: {  	(v2sf) =	vpush v3, $0xF;
	_ =	sdelay $0x4  }
0x122: {  	s26 =	smul.u32 $0xAAAB, s11;
	_ =	sdelay $0x1  }
0x123: {  	s6 =	sshrl.u32 s26, $0x12  }
0x124: {  	s6 =	smul.u32 $0x6, s6;
	_ =	sdelay $0x1  }
0x125: {  	s6 =	ssub.s32 s11, s6  }
0x126: {  	s14 =	smov.u32 s13;
	s26 =	sand.u32 $0xFFFF, s6  }
0x127: {  	s13 =	smov.u32 s31;
	s31 =	smov.u32 s29;
	p0 =	sgt.s32 s26, $0x2  }
.Ltmp4:
0x128: {  	s3 =	smov.u32 s12;
	s12 =	smov.u32 s30;
	(pc) =	sbr.rel @p0 .LBB2_4-.Ltmp4, $4  }
0x129: {  	s30 =	smov.u32 s22;
	s22 =	smov.u32 s17;
	s17 =	spop (v2sf)  }
0x12a: {  	s29 =	smov.u32 s19;
	s19 =	spop (v2sf);
	s23 =	sand.u32 $0xFFFFF80, s17  }
0x12b: {  	s25 =	sadd.s32 s1, s23;
	s28 =	sand.u32 $0xFFFFF80, s19  }
0x12c: {  	s23 =	sadd.s32 s4, s23;
	s24 =	sadd.s32 s2, s28;
	s6 =	sadd.s32 s5, s28  }
0x12d: {  	p0 =	seq.s32 s26, $0x0  }
0x12e: {  	s28 =	simm.s32 @p0 $0x400;
	s0 =	simm.s32 @p0 $0x7A1400;
	s16 =	simm.s32 @p0 $0xF400  }
0x12f: {  	[tilespmem:s16], [sflag:$0x6] =	stream.strided.gather @p0 [hbm4b:s25+s28], $0x800, s0, s28, $0x38;
	[tilespmem:$0x1E400] =	vst v63  }
0x130: {  	s16 =	simm.s32 @p0 $0xFC00  }
0x131: {  	[tilespmem:s16], [sflag:$0x6] =	stream.strided.gather @p0 [hbm4b:s24+s28], $0x800, s0, s28, $0x38;
	[tilespmem:$0x1E400] =	vst v63  }
0x132: {  	p2 =	seq.s32 @!p0 s26, $0x1;
	s16 =	simm.s32 @p0 $0x10400  }
0x133: {  	[tilespmem:s16], [sflag:$0x6] =	stream.strided.gather @p0 [hbm4b:s23+s28], $0x1000, s0, s28, $0x38;
	[tilespmem:$0x1E400] =	vst v63  }
0x134: {  	p1 =	por !p2, p0;
	s16 =	simm.s32 @p0 $0x11400  }
0x135: {  	[tilespmem:s16], [sflag:$0x6] =	stream.strided.gather @p0 [hbm4b:s6+s28], $0x1000, s0, s28, $0x38;
	[tilespmem:$0x1E400] =	vst v63  }
0x136: {  	s0 =	simm.s32 @!p1 $0x7A1400;
	s16 =	simm.s32 @!p1 $0x400  }
0x137: {  	[tilespmem:s16], [sflag:$0x1] =	stream.strided.gather @!p1 [hbm4b:s25+s16], $0x800, s0, s16, $0x38;
	[tilespmem:$0x1E400] =	vst v63  }
0x138: {  	s26 =	simm.s32 @!p1 $0xC00  }
0x139: {  	[tilespmem:s26], [sflag:$0x1] =	stream.strided.gather @!p1 [hbm4b:s24+s16], $0x800, s0, s16, $0x38;
	[tilespmem:$0x1E400] =	vst v63  }
0x13a: {  	s26 =	simm.s32 @!p1 $0x1400  }
0x13b: {  	[tilespmem:s26], [sflag:$0x1] =	stream.strided.gather @!p1 [hbm4b:s23+s16], $0x1000, s0, s16, $0x38;
	[tilespmem:$0x1E400] =	vst v63  }
0x13c: {  	p2 =	por p2, p0;
	s26 =	simm.s32 @!p1 $0x2400  }
0x13d: {  	[tilespmem:s26], [sflag:$0x1] =	stream.strided.gather @!p1 [hbm4b:s6+s16], $0x1000, s0, s16, $0x38;
	[tilespmem:$0x1E400] =	vst v63  }
0x13e: {  	s0 =	simm.s32 @!p2 $0x400;
	s16 =	simm.s32 @!p2 $0x7A1400;
	s26 =	simm.s32 @!p2 $0x3400  }
0x13f: {  	[tilespmem:s26], [sflag:$0x2] =	stream.strided.gather @!p2 [hbm4b:s25+s0], $0x800, s16, s0, $0x38;
	[tilespmem:$0x1E400] =	vst v63  }
0x140: {  	s25 =	simm.s32 @!p2 $0x3C00  }
0x141: {  	[tilespmem:s25], [sflag:$0x2] =	stream.strided.gather @!p2 [hbm4b:s24+s0], $0x800, s16, s0, $0x38;
	[tilespmem:$0x1E400] =	vst v63  }
0x142: {  	s26 =	simm.s32 @!p2 $0x5400;
	s24 =	simm.s32 @!p1 $0x4400;
	s25 =	simm.s32 @!p2 $0x4400  }
0x143: {  	[tilespmem:s25], [sflag:$0x2] =	stream.strided.gather @!p2 [hbm4b:s23+s0], $0x1000, s16, s0, $0x38;
	[tilespmem:$0x1E400] =	vst v63  }
0x144: {  	s24 =	simm.s32 @p1 $0x7400;
	s23 =	simm.s32 @!p1 $0x3400;
	s25 =	simm.s32 @!p1 $0x2  }
.Ltmp5:
0x145: {  	s24 =	simm.s32 @p0 $0x1400;
	s25 =	simm.s32 @p1 $0x3;
	(pc) =	sbr.rel .LBB2_5-.Ltmp5, $4  }
0x146: {  	[tilespmem:s26], [sflag:$0x2] =	stream.strided.gather @!p2 [hbm4b:s6+s0], $0x1000, s16, s0, $0x38;
	[tilespmem:$0x1E400] =	vst v63  }
0x147: {  	s23 =	simm.s32 @p1 $0x6400;
	s26 =	simm.s32 @!p1 $0x3C00;
	s6 =	simm.s32 @!p1 $0x5400  }
0x148: {  	s25 =	simm.s32 @p0 $0x1;
	s26 =	simm.s32 @p1 $0x6C00;
	s6 =	simm.s32 @p1 $0x8400  }
0x149: {  	s23 =	simm.s32 @p0 $0x400;
	s26 =	simm.s32 @p0 $0xC00;
	s6 =	simm.s32 @p0 $0x2400  }
.LBB2_7:
0x14a: {  	_ =	sfence.sel $0x180000  }
0x14b: {  	[bflag:$0x0] =	sbarrier.arrive $0xFFFF  }
0x14c: {  	_ =	strace $0x90000047  }
0x14d: {  	s0 =	stileid.u32;
	[bflag:$0x2] =	sbarrier.arrive $0xFFFF  }
0x14e: {  	p0 =	sne.s32 s0, $0x0;
	s0 =	rddreg [dreg:$0x6]  }
0x14f: {  	s0 =	sadd.s32 @!p0 $0x100000, s0  }
0x150: {  	[sflag:s0] =	ssyncadd.tile.s32 @!p0 $0x1;
	_ =	shalt  }
.Lfunc_end2:
_tile_overlayer_lowered:
.L_overlay_start_2:
0x151: {  	(tag) =	ssettag $0x2  }
0x152: {  	s0 =	rddreg [dreg:$0x0];
	s2 =	stileid.u32  }
0x153: {  	s1 =	rddreg [dreg:$0x1];
	p0 =	sne.s32 s2, $0x0  }
0x154: {  	s3 =	rddreg [dreg:$0x2];
	[bflag:$0x3] =	sbarrier.arrive $0xFFFF;
	s2 =	simm.s32 @!p0 $0x1C07  }
0x155: {  	[timem:s3], [sflag:s2] =	dma.local @!p0 [hbm:s0], s1  }
0x156: {  	s0 =	simm.s32 @!p0 $0x7  }
0x157: {  	_ =	swait.ge @!p0 [sflag:s0], s1  }
0x158: {  	s1 =	ssub.s32 @!p0 $0x0, s1;
	[sflag:s0] =	ssyncset.done @!p0 $0x0  }
0x159: {  	[sflag:s0] =	ssyncadd.s32 @!p0 s1  }
0x15a: {  	[bflag:$0x3] =	sbarrier.arrive $0xFFFF  }
0x15b: {  	_ =	shalt  }

</sc_bundles>
